<compile_context>
chip_gen: v7x
topology: tpu7x:2x2x1
jax: 0.10.2.dev20260603
libtpu: 0.0.44.dev20260713+nightly
codegen_flags: <defaults>
</compile_context>

<pallas_src>
import functools

import jax
import jax.numpy as jnp
from jax import lax
from jax.experimental import pallas as pl
from jax.experimental.pallas import tpu as pltpu
from jax.experimental.pallas import tpu_sc as plsc

_PAD = 128


def _sc_gather(tab128, ids):
    B = ids.shape[0]
    info = plsc.get_sparse_core_info()
    nc, ns = info.num_cores, info.num_subcores
    nw = nc * ns
    b_per_w = B // nw
    mesh = plsc.VectorSubcoreMesh(core_axis_name="c", subcore_axis_name="s")

    @functools.partial(
        pl.kernel,
        mesh=mesh,
        compiler_params=pltpu.CompilerParams(use_tc_tiling_on_sc=True, needs_layout_passes=False),
        out_type=jax.ShapeDtypeStruct((B, _PAD), jnp.float32),
        scratch_types=[
            pltpu.VMEM((b_per_w,), jnp.int32),
            pltpu.VMEM((b_per_w,), jnp.int32),
            pltpu.VMEM((4, b_per_w // 4, _PAD), jnp.float32),
            pltpu.SemaphoreType.DMA,
            pltpu.SemaphoreType.DMA,
            pltpu.SemaphoreType.DMA,
            pltpu.SemaphoreType.DMA,
            pltpu.SemaphoreType.DMA,
            pltpu.SemaphoreType.DMA,
            pltpu.SemaphoreType.DMA,
            pltpu.SemaphoreType.DMA,
        ],
    )
    def gather_k(tab, tid, out, idx_v, sel_v, bufs,
                 g0, g1, g2, g3, o0, o1, o2, o3):
        wid = lax.axis_index("s") * nc + lax.axis_index("c")
        base = wid * b_per_w
        pltpu.sync_copy(tid.at[pl.ds(base, b_per_w)], idx_v)
        g32 = jnp.int32(_GROUP)

        def split_ids(k, _):
            ti = idx_v[pl.ds(16 * k, 16)]
            sel_v[pl.ds(16 * k, 16)] = lax.div(ti, g32)
            idx_v[pl.ds(16 * k, 16)] = lax.rem(ti, g32)
            return 0

        lax.fori_loop(0, b_per_w // 16, split_ids, 0)

        lanes = jnp.arange(16, dtype=jnp.int32)
        lane120 = jnp.full((16,), 120, dtype=jnp.int32)
        quarter = b_per_w // 4
        gsems = [g0, g1, g2, g3]
        osems = [o0, o1, o2, o3]

        def write_sel(q, off):
            def body(g, _):
                rows = 16 * g + lanes
                sel = sel_v[pl.ds(off + 16 * g, 16)]
                plsc.store_scatter(bufs.at[q], [rows, lane120],
                                   sel.astype(jnp.float32))
                return 0
            lax.fori_loop(0, quarter // 16, body, 0)

        gcps = [pltpu.async_copy(
            tab.at[idx_v.at[pl.ds(q * quarter, quarter)]],
            bufs.at[q], gsems[q]) for q in range(4)]
        ocps = []
        for q in range(4):
            gcps[q].wait()
            write_sel(q, q * quarter)
            ocps.append(pltpu.async_copy(
                bufs.at[q], out.at[pl.ds(base + q * quarter, quarter)],
                osems[q]))
        for cp in ocps:
            cp.wait()

    return gather_k(tab128, ids)


_GROUP = 50176


def _prep_body(p0, p1, eyes, po):
    f32 = jnp.float32
    dims = (((0,), (0,)), ((), ()))
    po[...] = (jax.lax.dot_general(p0[...], eyes[0, 0], dims,
                                   preferred_element_type=f32)
               + jax.lax.dot_general(p1[...], eyes[0, 1], dims,
                                     preferred_element_type=f32))


def _prep(tabT, eyes):
    C = 12544
    nb = _GROUP // C
    grid = (nb,)

    def tblock(q):
        return lambda i: (0, q * nb + i)

    return pl.pallas_call(
        _prep_body,
        grid=grid,
        in_specs=(
            [pl.BlockSpec((tabT.shape[0], C), tblock(q)) for q in range(2)]
            + [pl.BlockSpec((1, 2) + eyes.shape[2:], lambda i: (0, 0, 0, 0))]
        ),
        out_specs=pl.BlockSpec((C, _PAD), lambda i: (i, 0)),
        out_shape=jax.ShapeDtypeStruct((_GROUP, _PAD), jnp.float32),
    )(tabT, tabT, eyes)


def _mlp_body(mv, us, gnT, vt, wg, bg, w1m, w1u, w1g, w1v, b1,
              w2, b2, w3, b3, w4, b4, out):
    f32 = jnp.float32
    emb = w1m.shape[0]
    dims = (((0,), (0,)), ((), ()))
    g = jax.lax.dot_general(gnT[...], wg[...], dims,
                            preferred_element_type=f32) + bg[...]
    g = jnp.maximum(g, 0.0)
    mvr = mv[...]
    usr = us[...]
    mve = jnp.where(mvr[:, 120:121] < 0.5, mvr[:, 0:emb], mvr[:, 64:64 + emb])
    use = jnp.where(usr[:, 120:121] < 0.5, usr[:, 0:emb], usr[:, 64:64 + emb])
    x = (jnp.dot(mve, w1m[...], preferred_element_type=f32)
         + jnp.dot(use, w1u[...], preferred_element_type=f32)
         + jnp.dot(g, w1g[...], preferred_element_type=f32)
         + jax.lax.dot_general(vt[...], w1v[...], dims,
                               preferred_element_type=f32)
         + b1[...])
    x = jnp.maximum(x, 0.0)
    x = jnp.maximum(jnp.dot(x, w2[...], preferred_element_type=f32) + b2[...], 0.0)
    x = jnp.maximum(jnp.dot(x, w3[...], preferred_element_type=f32) + b3[...], 0.0)
    dt = (((0,), (1,)), ((), ()))
    xt = jnp.maximum(jax.lax.dot_general(w4[...], x, dt,
                                         preferred_element_type=f32)
                     + b4[...], 0.0)
    m = jnp.max(xt, axis=0, keepdims=True)
    e = jnp.exp(xt - m)
    out[...] = e / jnp.sum(e, axis=0, keepdims=True)


def _mlp(movieE, userE, genreT, vote, Wg, bg, W1m, W1u, W1g,
         w1v, b1, W2, b2, W3, b3, W4, b4):
    B = movieE.shape[0]
    T = 4096
    grid = (B // T,)

    def btile(minor):
        return pl.BlockSpec((T, minor), lambda i: (i, 0))

    def full(a):
        return pl.BlockSpec(a.shape, lambda i: (0, 0))

    return pl.pallas_call(
        _mlp_body,
        grid=grid,
        in_specs=[
            btile(movieE.shape[1]),
            btile(userE.shape[1]),
            pl.BlockSpec((genreT.shape[0], T), lambda i: (0, i)),
            pl.BlockSpec((1, T), lambda i: (0, i)),
            full(Wg), full(bg), full(W1m), full(W1u), full(W1g),
            full(w1v), full(b1), full(W2), full(b2), full(W3), full(b3),
            full(W4), full(b4),
        ],
        out_specs=pl.BlockSpec((5, T), lambda i: (0, i)),
        out_shape=jax.ShapeDtypeStruct((5, B), jnp.float32),
    )(movieE, userE, genreT, vote, Wg, bg, W1m, W1u, W1g, w1v,
      b1, W2, b2, W3, b3, W4, b4)


def kernel(userId, movieId, genre, vote_average, release_date, movie_table,
           user_table, Wg, bg, W1, b1, W2, b2, W3, b3, W4, b4):
    B = userId.shape[0]
    emb = movie_table.shape[1]
    mids = movieId.reshape(B)
    uids = userId.reshape(B)
    eyes = jnp.stack([jnp.eye(emb, _PAD, k=64 * q, dtype=jnp.float32)
                      for q in range(2)])[None]
    mt128 = _prep(movie_table.T, eyes)
    movieE = _sc_gather(mt128, mids)
    ut128 = _prep(user_table.T, eyes)
    userE = _sc_gather(ut128, uids)
    genreT = genre.reshape(B, genre.shape[-1]).T
    W1m = W1[0:20]
    W1u = W1[20:40]
    W1g = W1[40:48]
    w1v = W1[48:49]
    return _mlp(movieE, userE, genreT, vote_average.T,
                Wg, bg.reshape(1, -1), W1m, W1u, W1g, w1v, b1.reshape(1, -1),
                W2, b2.reshape(1, -1), W3, b3.reshape(1, -1),
                W4, b4.reshape(-1, 1)).T

# --- scband reference (transcript-rebuilt; emitter-appended) ---
"""Pipeline reference for scband-wreck-em-9036611191511 (READ-ONLY COPY).

The authoritative reference and input builder live on the scoring server;
editing this copy changes nothing except your own understanding.
"""

import jax, jax.numpy as jnp
import numpy as np

B = 16384
N_MOVIES = 100000
N_USERS = 100000
EMB = 20
N_GENRES = 20

def setup_inputs(seed: int = 0) -> dict:
    key = jax.random.key(seed)
    ks = jax.random.split(key, 20)
    userId = jax.random.randint(ks[0], (B, 1), 0, N_USERS, dtype=jnp.int64 if jax.config.jax_enable_x64 else jnp.int32).astype(jnp.int32)
    movieId = jax.random.randint(ks[1], (B, 1), 0, N_MOVIES).astype(jnp.int32)
    genre = jax.random.uniform(ks[2], (B, 1, N_GENRES), dtype=jnp.float32)
    vote_average = jax.random.uniform(ks[3], (B, 1), dtype=jnp.float32)
    release_date = jax.random.uniform(ks[4], (B, 1), dtype=jnp.float32)
    movie_table = jax.random.normal(ks[5], (N_MOVIES, EMB), dtype=jnp.float32) * 0.02
    user_table = jax.random.normal(ks[6], (N_USERS, EMB), dtype=jnp.float32) * 0.02
    Wg = jax.random.normal(ks[7], (N_GENRES, 8), dtype=jnp.float32) * (1.0 / np.sqrt(N_GENRES))
    bg = jnp.zeros((8,), dtype=jnp.float32)
    W1 = jax.random.normal(ks[8], (49, 128), dtype=jnp.float32) * (1.0 / np.sqrt(49))
    b1 = jnp.zeros((128,), dtype=jnp.float32)
    W2 = jax.random.normal(ks[9], (128, 64), dtype=jnp.float32) * (1.0 / np.sqrt(128))
    b2 = jnp.zeros((64,), dtype=jnp.float32)
    W3 = jax.random.normal(ks[10], (64, 32), dtype=jnp.float32) * (1.0 / np.sqrt(64))
    b3 = jnp.zeros((32,), dtype=jnp.float32)
    W4 = jax.random.normal(ks[11], (32, 5), dtype=jnp.float32) * (1.0 / np.sqrt(32))
    b4 = jnp.zeros((5,), dtype=jnp.float32)
    return {"userId": userId, "movieId": movieId, "genre": genre, "vote_average": vote_average, "release_date": release_date, "movie_table": movie_table, "user_table": user_table, "Wg": Wg, "bg": bg, "W1": W1, "b1": b1, "W2": W2, "b2": b2, "W3": W3, "b3": b3, "W4": W4, "b4": b4}


def reference(userId, movieId, genre, vote_average, release_date, movie_table, user_table, Wg, bg, W1, b1, W2, b2, W3, b3, W4, b4):
    movieEmbed = jnp.take(movie_table, movieId, axis=0)  # [B,1,20]
    movieEmbed = movieEmbed.reshape(movieEmbed.shape[0], movieEmbed.shape[2])
    userEmbed = jnp.take(user_table, userId, axis=0)  # [B,1,20]
    userEmbed = userEmbed.reshape(userEmbed.shape[0], userEmbed.shape[2])
    g = jax.nn.relu(jnp.dot(genre, Wg) + bg)  # [B,1,8]
    g = g.reshape(g.shape[0], g.shape[2])
    x = jnp.concatenate([movieEmbed, userEmbed, g, vote_average], axis=1)  # [B,49]
    x = jax.nn.relu(jnp.dot(x, W1) + b1)
    x = jax.nn.relu(jnp.dot(x, W2) + b2)
    x = jax.nn.relu(jnp.dot(x, W3) + b3)
    x = jax.nn.relu(jnp.dot(x, W4) + b4)
    x = jax.nn.softmax(x, axis=1)
    return x

if __name__ == "__main__":
    import jax
    _d = setup_inputs()
    print(jax.jit(kernel)(*tuple(_d.values())))

</pallas_src>

<mosaic_0001>
#map = affine_map<(d0, d1) -> (0, 0)>
#map1 = affine_map<(d0, d1) -> (0)>
module attributes {stable_mosaic.version = 14 : i64} {
  func.func @gather_k(%arg0: i32, %arg1: i32, %arg2: memref<50176x128xf32, #tpu.memory_space<hbm>>, %arg3: memref<16384xi32, #tpu.memory_space<hbm>>, %arg4: memref<16384x128xf32, #tpu.memory_space<hbm>>, %arg5: memref<512xi32, #tpu.memory_space<vmem>>, %arg6: memref<512xi32, #tpu.memory_space<vmem>>, %arg7: memref<4x128x128xf32, #tpu.memory_space<vmem>>, %arg8: memref<!tpu.dma_semaphore, #tpu.memory_space<semaphore_mem>>, %arg9: memref<!tpu.dma_semaphore, #tpu.memory_space<semaphore_mem>>, %arg10: memref<!tpu.dma_semaphore, #tpu.memory_space<semaphore_mem>>, %arg11: memref<!tpu.dma_semaphore, #tpu.memory_space<semaphore_mem>>, %arg12: memref<!tpu.dma_semaphore, #tpu.memory_space<semaphore_mem>>, %arg13: memref<!tpu.dma_semaphore, #tpu.memory_space<semaphore_mem>>, %arg14: memref<!tpu.dma_semaphore, #tpu.memory_space<semaphore_mem>>, %arg15: memref<!tpu.dma_semaphore, #tpu.memory_space<semaphore_mem>>) attributes {dimension_semantics = [#tpu.dimension_semantics<core_parallel>, #tpu.dimension_semantics<subcore_parallel>], iteration_bounds = array<i64: 2, 16>, scalar_prefetch = 0 : i64, scratch_operands = 11 : i64, tpu.core_type = #tpu.core_type<sc_vector_subcore>, window_params = [{transform_indices = #map}, {transform_indices = #map1}, {transform_indices = #map}]} {
    %mul3A = arith.constant 2 : i32
    %mul3A_0 = arith.muli %arg1, %mul3A : i32
    %add3A = arith.addi %mul3A_0, %arg0 : i32
    %mul3A_1 = arith.constant 512 : i32
    %mul3A_2 = arith.muli %add3A, %mul3A_1 : i32
    "tpu.region"() ({
      %run_scoped3A = tpu.sem_alloc : memref<!tpu.dma_semaphore, #tpu.memory_space<semaphore_mem>>
      %dma_start3A_229 = tpu.memref_slice %arg3[%mul3A_2] : memref<16384xi32, #tpu.memory_space<hbm>> -> memref<512xi32, #tpu.memory_space<hbm>>
      %dma_start3A_230 = tpu.memref_slice %arg3[%mul3A_2] : memref<16384xi32, #tpu.memory_space<hbm>> -> memref<512xi32, #tpu.memory_space<hbm>>
      tpu.enqueue_dma source(%dma_start3A_230 : memref<512xi32, #tpu.memory_space<hbm>>) target(%arg5 : memref<512xi32, #tpu.memory_space<vmem>>) target_semaphore(%run_scoped3A : memref<!tpu.dma_semaphore, #tpu.memory_space<semaphore_mem>>)
      %dma_wait3A_231 = tpu.memref_slice %arg3[%mul3A_2] : memref<16384xi32, #tpu.memory_space<hbm>> -> memref<512xi32, #tpu.memory_space<hbm>>
      %dma_wait3A_232 = tpu.memref_slice %arg3[%mul3A_2] : memref<16384xi32, #tpu.memory_space<hbm>> -> memref<512xi32, #tpu.memory_space<hbm>>
      tpu.wait_dma2 semaphore(%run_scoped3A : memref<!tpu.dma_semaphore, #tpu.memory_space<semaphore_mem>>) src(%dma_wait3A_232 : memref<512xi32, #tpu.memory_space<hbm>>) dst(%arg5 : memref<512xi32, #tpu.memory_space<vmem>>)
      tpu.yield
    }) : () -> ()
    %scan3A = arith.constant 50176 : i32
    %scan3A_3 = arith.constant 0 : i32
    %scan3A_4 = arith.constant 0 : i32
    %scan3A_5 = arith.constant 32 : i32
    %scan3A_6 = arith.addi %scan3A_4, %scan3A_5 : i32
    %scan3A_7 = arith.constant 1 : i32
    %scan3A_8 = scf.for %scan3A_229 = %scan3A_4 to %scan3A_6 step %scan3A_7 iter_args(%scan3A_230 = %scan3A_3) -> (i32)  : i32 {
      %mul3A_231 = arith.constant 16 : i32
      %mul3A_232 = arith.muli %mul3A_231, %scan3A_229 : i32
      %get3A = arith.index_cast %mul3A_232 : i32 to index
      %get3A_233 = tpu.vector_load %arg5[%get3A] {strides = array<i32>} : memref<512xi32, #tpu.memory_space<vmem>>, vector<16xi32>,
      %div3A = vector.broadcast %scan3A : i32 to vector<16xi32>
      %div3A_234 = arith.divsi %get3A_233, %div3A : vector<16xi32>
      %mul3A_235 = arith.constant 16 : i32
      %mul3A_236 = arith.muli %mul3A_235, %scan3A_229 : i32
      %swap3A = arith.index_cast %mul3A_236 : i32 to index
      %swap3A_237 = tpu.vector_load %arg6[%swap3A] {strides = array<i32>} : memref<512xi32, #tpu.memory_space<vmem>>, vector<16xi32>,
      tpu.vector_store %arg6[%swap3A], %div3A_234 {strides = array<i32>} : memref<512xi32, #tpu.memory_space<vmem>>, vector<16xi32>,
      %rem3A = vector.broadcast %scan3A : i32 to vector<16xi32>
      %rem3A_238 = arith.remsi %get3A_233, %rem3A : vector<16xi32>
      %mul3A_239 = arith.constant 16 : i32
      %mul3A_240 = arith.muli %mul3A_239, %scan3A_229 : i32
      %swap3A_241 = arith.index_cast %mul3A_240 : i32 to index
      %swap3A_242 = tpu.vector_load %arg5[%swap3A_241] {strides = array<i32>} : memref<512xi32, #tpu.memory_space<vmem>>, vector<16xi32>,
      tpu.vector_store %arg5[%swap3A_241], %rem3A_238 {strides = array<i32>} : memref<512xi32, #tpu.memory_space<vmem>>, vector<16xi32>,
      %scan3A_243 = arith.constant 0 : i32
      scf.yield %scan3A_243 : i32
    }
    %scan3A_9 = arith.constant 32 : i32
    %iota3A = tpu.iota {dimensions = array<i32: 0>} : vector<16xi32>
    %broadcast_in_dim3A = arith.constant 120 : i32
    %broadcast_in_dim3A_10 = vector.broadcast %broadcast_in_dim3A : i32 to vector<16xi32>
    %dma_start3A = arith.constant 0 : i32
    %dma_start3A_11 = arith.constant 0 : i32
    %dma_start3A_12 = arith.constant 0 : i32
    %dma_start3A_13 = tpu.memref_slice %arg7[%dma_start3A, %dma_start3A_11, %dma_start3A_12] : memref<4x128x128xf32, #tpu.memory_space<vmem>> -> memref<1x128x128xf32, #tpu.memory_space<vmem>>
    %dma_start3A_14 = tpu.memref_squeeze %dma_start3A_13 : memref<1x128x128xf32, #tpu.memory_space<vmem>> -> memref<128x128xf32, #tpu.memory_space<vmem>>
    %dma_start3A_15 = arith.constant 0 : i32
    %dma_start3A_16 = tpu.memref_slice %arg5[%dma_start3A_15] : memref<512xi32, #tpu.memory_space<vmem>> -> memref<128xi32, #tpu.memory_space<vmem>>
    %dma_start3A_17 = arith.constant 0 : i32
    %dma_start3A_18 = arith.constant 0 : i32
    %dma_start3A_19 = tpu.memref_slice %arg2[%dma_start3A_17, %dma_start3A_18] : memref<50176x128xf32, #tpu.memory_space<hbm>> -> memref<50176x128xf32, #tpu.memory_space<hbm>>
    tpu.enqueue_indirect_dma source(%dma_start3A_19 : memref<50176x128xf32, #tpu.memory_space<hbm>>) target(%dma_start3A_14 : memref<128x128xf32, #tpu.memory_space<vmem>>) offsets(%dma_start3A_16 : memref<128xi32, #tpu.memory_space<vmem>>) semaphore(%arg8 : memref<!tpu.dma_semaphore, #tpu.memory_space<semaphore_mem>>)
    %dma_start3A_20 = arith.constant 1 : i32
    %dma_start3A_21 = arith.constant 0 : i32
    %dma_start3A_22 = arith.constant 0 : i32
    %dma_start3A_23 = tpu.memref_slice %arg7[%dma_start3A_20, %dma_start3A_21, %dma_start3A_22] : memref<4x128x128xf32, #tpu.memory_space<vmem>> -> memref<1x128x128xf32, #tpu.memory_space<vmem>>
    %dma_start3A_24 = tpu.memref_squeeze %dma_start3A_23 : memref<1x128x128xf32, #tpu.memory_space<vmem>> -> memref<128x128xf32, #tpu.memory_space<vmem>>
    %dma_start3A_25 = arith.constant 128 : i32
    %dma_start3A_26 = tpu.memref_slice %arg5[%dma_start3A_25] : memref<512xi32, #tpu.memory_space<vmem>> -> memref<128xi32, #tpu.memory_space<vmem>>
    %dma_start3A_27 = arith.constant 0 : i32
    %dma_start3A_28 = arith.constant 0 : i32
    %dma_start3A_29 = tpu.memref_slice %arg2[%dma_start3A_27, %dma_start3A_28] : memref<50176x128xf32, #tpu.memory_space<hbm>> -> memref<50176x128xf32, #tpu.memory_space<hbm>>
    tpu.enqueue_indirect_dma source(%dma_start3A_29 : memref<50176x128xf32, #tpu.memory_space<hbm>>) target(%dma_start3A_24 : memref<128x128xf32, #tpu.memory_space<vmem>>) offsets(%dma_start3A_26 : memref<128xi32, #tpu.memory_space<vmem>>) semaphore(%arg9 : memref<!tpu.dma_semaphore, #tpu.memory_space<semaphore_mem>>)
    %dma_start3A_30 = arith.constant 2 : i32
    %dma_start3A_31 = arith.constant 0 : i32
    %dma_start3A_32 = arith.constant 0 : i32
    %dma_start3A_33 = tpu.memref_slice %arg7[%dma_start3A_30, %dma_start3A_31, %dma_start3A_32] : memref<4x128x128xf32, #tpu.memory_space<vmem>> -> memref<1x128x128xf32, #tpu.memory_space<vmem>>
    %dma_start3A_34 = tpu.memref_squeeze %dma_start3A_33 : memref<1x128x128xf32, #tpu.memory_space<vmem>> -> memref<128x128xf32, #tpu.memory_space<vmem>>
    %dma_start3A_35 = arith.constant 256 : i32
    %dma_start3A_36 = tpu.memref_slice %arg5[%dma_start3A_35] : memref<512xi32, #tpu.memory_space<vmem>> -> memref<128xi32, #tpu.memory_space<vmem>>
    %dma_start3A_37 = arith.constant 0 : i32
    %dma_start3A_38 = arith.constant 0 : i32
    %dma_start3A_39 = tpu.memref_slice %arg2[%dma_start3A_37, %dma_start3A_38] : memref<50176x128xf32, #tpu.memory_space<hbm>> -> memref<50176x128xf32, #tpu.memory_space<hbm>>
    tpu.enqueue_indirect_dma source(%dma_start3A_39 : memref<50176x128xf32, #tpu.memory_space<hbm>>) target(%dma_start3A_34 : memref<128x128xf32, #tpu.memory_space<vmem>>) offsets(%dma_start3A_36 : memref<128xi32, #tpu.memory_space<vmem>>) semaphore(%arg10 : memref<!tpu.dma_semaphore, #tpu.memory_space<semaphore_mem>>)
    %dma_start3A_40 = arith.constant 3 : i32
    %dma_start3A_41 = arith.constant 0 : i32
    %dma_start3A_42 = arith.constant 0 : i32
    %dma_start3A_43 = tpu.memref_slice %arg7[%dma_start3A_40, %dma_start3A_41, %dma_start3A_42] : memref<4x128x128xf32, #tpu.memory_space<vmem>> -> memref<1x128x128xf32, #tpu.memory_space<vmem>>
    %dma_start3A_44 = tpu.memref_squeeze %dma_start3A_43 : memref<1x128x128xf32, #tpu.memory_space<vmem>> -> memref<128x128xf32, #tpu.memory_space<vmem>>
    %dma_start3A_45 = arith.constant 384 : i32
    %dma_start3A_46 = tpu.memref_slice %arg5[%dma_start3A_45] : memref<512xi32, #tpu.memory_space<vmem>> -> memref<128xi32, #tpu.memory_space<vmem>>
    %dma_start3A_47 = arith.constant 0 : i32
    %dma_start3A_48 = arith.constant 0 : i32
    %dma_start3A_49 = tpu.memref_slice %arg2[%dma_start3A_47, %dma_start3A_48] : memref<50176x128xf32, #tpu.memory_space<hbm>> -> memref<50176x128xf32, #tpu.memory_space<hbm>>
    tpu.enqueue_indirect_dma source(%dma_start3A_49 : memref<50176x128xf32, #tpu.memory_space<hbm>>) target(%dma_start3A_44 : memref<128x128xf32, #tpu.memory_space<vmem>>) offsets(%dma_start3A_46 : memref<128xi32, #tpu.memory_space<vmem>>) semaphore(%arg11 : memref<!tpu.dma_semaphore, #tpu.memory_space<semaphore_mem>>)
    %dma_wait3A = arith.constant 0 : i32
    %dma_wait3A_50 = arith.constant 0 : i32
    %dma_wait3A_51 = arith.constant 0 : i32
    %dma_wait3A_52 = tpu.memref_slice %arg7[%dma_wait3A, %dma_wait3A_50, %dma_wait3A_51] : memref<4x128x128xf32, #tpu.memory_space<vmem>> -> memref<1x128x128xf32, #tpu.memory_space<vmem>>
    %dma_wait3A_53 = tpu.memref_squeeze %dma_wait3A_52 : memref<1x128x128xf32, #tpu.memory_space<vmem>> -> memref<128x128xf32, #tpu.memory_space<vmem>>
    %dma_wait3A_54 = arith.constant 0 : i32
    %dma_wait3A_55 = tpu.memref_slice %arg5[%dma_wait3A_54] : memref<512xi32, #tpu.memory_space<vmem>> -> memref<128xi32, #tpu.memory_space<vmem>>
    %dma_wait3A_56 = arith.constant 0 : i32
    %dma_wait3A_57 = arith.constant 0 : i32
    %dma_wait3A_58 = tpu.memref_slice %arg2[%dma_wait3A_56, %dma_wait3A_57] : memref<50176x128xf32, #tpu.memory_space<hbm>> -> memref<50176x128xf32, #tpu.memory_space<hbm>>
    tpu.wait_indirect_dma semaphore(%arg8 : memref<!tpu.dma_semaphore, #tpu.memory_space<semaphore_mem>>) src(%dma_wait3A_58 : memref<50176x128xf32, #tpu.memory_space<hbm>>) dst(%dma_wait3A_53 : memref<128x128xf32, #tpu.memory_space<vmem>>)
    %scan3A_59 = arith.constant 0 : i32
    %scan3A_60 = arith.constant 0 : i32
    %scan3A_61 = arith.constant 8 : i32
    %scan3A_62 = arith.addi %scan3A_60, %scan3A_61 : i32
    %scan3A_63 = arith.constant 1 : i32
    %scan3A_64 = scf.for %scan3A_229 = %scan3A_60 to %scan3A_62 step %scan3A_63 iter_args(%scan3A_230 = %scan3A_59) -> (i32)  : i32 {
      %mul3A_231 = arith.constant 16 : i32
      %mul3A_232 = arith.muli %mul3A_231, %scan3A_229 : i32
      %add3A_233 = vector.broadcast %mul3A_232 : i32 to vector<16xi32>
      %add3A_234 = arith.addi %add3A_233, %iota3A : vector<16xi32>
      %mul3A_235 = arith.constant 16 : i32
      %mul3A_236 = arith.muli %mul3A_235, %scan3A_229 : i32
      %add3A_237 = arith.constant 0 : i32
      %add3A_238 = arith.addi %add3A_237, %mul3A_236 : i32
      %get3A = arith.index_cast %add3A_238 : i32 to index
      %get3A_239 = tpu.vector_load %arg6[%get3A] {strides = array<i32>} : memref<512xi32, #tpu.memory_space<vmem>>, vector<16xi32>,
      %convert_element_type3A = arith.sitofp %get3A_239 : vector<16xi32> to vector<16xf32>
      %scatter3A = arith.constant 0 : i32
      %scatter3A_240 = arith.constant 0 : i32
      %scatter3A_241 = arith.constant 0 : i32
      %scatter3A_242 = tpu.memref_slice %arg7[%scatter3A, %scatter3A_240, %scatter3A_241] : memref<4x128x128xf32, #tpu.memory_space<vmem>> -> memref<1x128x128xf32, #tpu.memory_space<vmem>>
      %scatter3A_243 = tpu.memref_squeeze %scatter3A_242 : memref<1x128x128xf32, #tpu.memory_space<vmem>> -> memref<128x128xf32, #tpu.memory_space<vmem>>
      tpu.vector_store_idx %scatter3A_243[%add3A_234, %broadcast_in_dim3A_10], %convert_element_type3A : memref<128x128xf32, #tpu.memory_space<vmem>>[vector<16xi32>, vector<16xi32>], vector<16xf32>,
      %scan3A_244 = arith.constant 0 : i32
      scf.yield %scan3A_244 : i32
    }
    %scan3A_65 = arith.constant 8 : i32
    %add3A_66 = arith.constant 0 : i32
    %add3A_67 = arith.addi %mul3A_2, %add3A_66 : i32
    %dma_start3A_68 = arith.constant 0 : i32
    %dma_start3A_69 = arith.constant 0 : i32
    %dma_start3A_70 = arith.constant 0 : i32
    %dma_start3A_71 = tpu.memref_slice %arg7[%dma_start3A_68, %dma_start3A_69, %dma_start3A_70] : memref<4x128x128xf32, #tpu.memory_space<vmem>> -> memref<1x128x128xf32, #tpu.memory_space<vmem>>
    %dma_start3A_72 = tpu.memref_squeeze %dma_start3A_71 : memref<1x128x128xf32, #tpu.memory_space<vmem>> -> memref<128x128xf32, #tpu.memory_space<vmem>>
    %dma_start3A_73 = arith.constant 0 : i32
    %dma_start3A_74 = tpu.memref_slice %arg4[%add3A_67, %dma_start3A_73] : memref<16384x128xf32, #tpu.memory_space<hbm>> -> memref<128x128xf32, #tpu.memory_space<hbm>>
    %dma_start3A_75 = arith.constant 0 : i32
    %dma_start3A_76 = tpu.memref_slice %arg4[%add3A_67, %dma_start3A_75] : memref<16384x128xf32, #tpu.memory_space<hbm>> -> memref<128x128xf32, #tpu.memory_space<hbm>>
    %dma_start3A_77 = arith.constant 0 : i32
    %dma_start3A_78 = arith.constant 0 : i32
    %dma_start3A_79 = tpu.memref_slice %arg7[%dma_start3A_68, %dma_start3A_77, %dma_start3A_78] : memref<4x128x128xf32, #tpu.memory_space<vmem>> -> memref<1x128x128xf32, #tpu.memory_space<vmem>>
    %dma_start3A_80 = tpu.memref_squeeze %dma_start3A_79 : memref<1x128x128xf32, #tpu.memory_space<vmem>> -> memref<128x128xf32, #tpu.memory_space<vmem>>
    tpu.enqueue_dma source(%dma_start3A_80 : memref<128x128xf32, #tpu.memory_space<vmem>>) target(%dma_start3A_76 : memref<128x128xf32, #tpu.memory_space<hbm>>) target_semaphore(%arg12 : memref<!tpu.dma_semaphore, #tpu.memory_space<semaphore_mem>>)
    %dma_wait3A_81 = arith.constant 1 : i32
    %dma_wait3A_82 = arith.constant 0 : i32
    %dma_wait3A_83 = arith.constant 0 : i32
    %dma_wait3A_84 = tpu.memref_slice %arg7[%dma_wait3A_81, %dma_wait3A_82, %dma_wait3A_83] : memref<4x128x128xf32, #tpu.memory_space<vmem>> -> memref<1x128x128xf32, #tpu.memory_space<vmem>>
    %dma_wait3A_85 = tpu.memref_squeeze %dma_wait3A_84 : memref<1x128x128xf32, #tpu.memory_space<vmem>> -> memref<128x128xf32, #tpu.memory_space<vmem>>
    %dma_wait3A_86 = arith.constant 128 : i32
    %dma_wait3A_87 = tpu.memref_slice %arg5[%dma_wait3A_86] : memref<512xi32, #tpu.memory_space<vmem>> -> memref<128xi32, #tpu.memory_space<vmem>>
    %dma_wait3A_88 = arith.constant 0 : i32
    %dma_wait3A_89 = arith.constant 0 : i32
    %dma_wait3A_90 = tpu.memref_slice %arg2[%dma_wait3A_88, %dma_wait3A_89] : memref<50176x128xf32, #tpu.memory_space<hbm>> -> memref<50176x128xf32, #tpu.memory_space<hbm>>
    tpu.wait_indirect_dma semaphore(%arg9 : memref<!tpu.dma_semaphore, #tpu.memory_space<semaphore_mem>>) src(%dma_wait3A_90 : memref<50176x128xf32, #tpu.memory_space<hbm>>) dst(%dma_wait3A_85 : memref<128x128xf32, #tpu.memory_space<vmem>>)
    %scan3A_91 = arith.constant 0 : i32
    %scan3A_92 = arith.constant 0 : i32
    %scan3A_93 = arith.constant 8 : i32
    %scan3A_94 = arith.addi %scan3A_92, %scan3A_93 : i32
    %scan3A_95 = arith.constant 1 : i32
    %scan3A_96 = scf.for %scan3A_229 = %scan3A_92 to %scan3A_94 step %scan3A_95 iter_args(%scan3A_230 = %scan3A_91) -> (i32)  : i32 {
      %mul3A_231 = arith.constant 16 : i32
      %mul3A_232 = arith.muli %mul3A_231, %scan3A_229 : i32
      %add3A_233 = vector.broadcast %mul3A_232 : i32 to vector<16xi32>
      %add3A_234 = arith.addi %add3A_233, %iota3A : vector<16xi32>
      %mul3A_235 = arith.constant 16 : i32
      %mul3A_236 = arith.muli %mul3A_235, %scan3A_229 : i32
      %add3A_237 = arith.constant 128 : i32
      %add3A_238 = arith.addi %add3A_237, %mul3A_236 : i32
      %get3A = arith.index_cast %add3A_238 : i32 to index
      %get3A_239 = tpu.vector_load %arg6[%get3A] {strides = array<i32>} : memref<512xi32, #tpu.memory_space<vmem>>, vector<16xi32>,
      %convert_element_type3A = arith.sitofp %get3A_239 : vector<16xi32> to vector<16xf32>
      %scatter3A = arith.constant 1 : i32
      %scatter3A_240 = arith.constant 0 : i32
      %scatter3A_241 = arith.constant 0 : i32
      %scatter3A_242 = tpu.memref_slice %arg7[%scatter3A, %scatter3A_240, %scatter3A_241] : memref<4x128x128xf32, #tpu.memory_space<vmem>> -> memref<1x128x128xf32, #tpu.memory_space<vmem>>
      %scatter3A_243 = tpu.memref_squeeze %scatter3A_242 : memref<1x128x128xf32, #tpu.memory_space<vmem>> -> memref<128x128xf32, #tpu.memory_space<vmem>>
      tpu.vector_store_idx %scatter3A_243[%add3A_234, %broadcast_in_dim3A_10], %convert_element_type3A : memref<128x128xf32, #tpu.memory_space<vmem>>[vector<16xi32>, vector<16xi32>], vector<16xf32>,
      %scan3A_244 = arith.constant 0 : i32
      scf.yield %scan3A_244 : i32
    }
    %scan3A_97 = arith.constant 8 : i32
    %add3A_98 = arith.constant 128 : i32
    %add3A_99 = arith.addi %mul3A_2, %add3A_98 : i32
    %dma_start3A_100 = arith.constant 1 : i32
    %dma_start3A_101 = arith.constant 0 : i32
    %dma_start3A_102 = arith.constant 0 : i32
    %dma_start3A_103 = tpu.memref_slice %arg7[%dma_start3A_100, %dma_start3A_101, %dma_start3A_102] : memref<4x128x128xf32, #tpu.memory_space<vmem>> -> memref<1x128x128xf32, #tpu.memory_space<vmem>>
    %dma_start3A_104 = tpu.memref_squeeze %dma_start3A_103 : memref<1x128x128xf32, #tpu.memory_space<vmem>> -> memref<128x128xf32, #tpu.memory_space<vmem>>
    %dma_start3A_105 = arith.constant 0 : i32
    %dma_start3A_106 = tpu.memref_slice %arg4[%add3A_99, %dma_start3A_105] : memref<16384x128xf32, #tpu.memory_space<hbm>> -> memref<128x128xf32, #tpu.memory_space<hbm>>
    %dma_start3A_107 = arith.constant 0 : i32
    %dma_start3A_108 = tpu.memref_slice %arg4[%add3A_99, %dma_start3A_107] : memref<16384x128xf32, #tpu.memory_space<hbm>> -> memref<128x128xf32, #tpu.memory_space<hbm>>
    %dma_start3A_109 = arith.constant 0 : i32
    %dma_start3A_110 = arith.constant 0 : i32
    %dma_start3A_111 = tpu.memref_slice %arg7[%dma_start3A_100, %dma_start3A_109, %dma_start3A_110] : memref<4x128x128xf32, #tpu.memory_space<vmem>> -> memref<1x128x128xf32, #tpu.memory_space<vmem>>
    %dma_start3A_112 = tpu.memref_squeeze %dma_start3A_111 : memref<1x128x128xf32, #tpu.memory_space<vmem>> -> memref<128x128xf32, #tpu.memory_space<vmem>>
    tpu.enqueue_dma source(%dma_start3A_112 : memref<128x128xf32, #tpu.memory_space<vmem>>) target(%dma_start3A_108 : memref<128x128xf32, #tpu.memory_space<hbm>>) target_semaphore(%arg13 : memref<!tpu.dma_semaphore, #tpu.memory_space<semaphore_mem>>)
    %dma_wait3A_113 = arith.constant 2 : i32
    %dma_wait3A_114 = arith.constant 0 : i32
    %dma_wait3A_115 = arith.constant 0 : i32
    %dma_wait3A_116 = tpu.memref_slice %arg7[%dma_wait3A_113, %dma_wait3A_114, %dma_wait3A_115] : memref<4x128x128xf32, #tpu.memory_space<vmem>> -> memref<1x128x128xf32, #tpu.memory_space<vmem>>
    %dma_wait3A_117 = tpu.memref_squeeze %dma_wait3A_116 : memref<1x128x128xf32, #tpu.memory_space<vmem>> -> memref<128x128xf32, #tpu.memory_space<vmem>>
    %dma_wait3A_118 = arith.constant 256 : i32
    %dma_wait3A_119 = tpu.memref_slice %arg5[%dma_wait3A_118] : memref<512xi32, #tpu.memory_space<vmem>> -> memref<128xi32, #tpu.memory_space<vmem>>
    %dma_wait3A_120 = arith.constant 0 : i32
    %dma_wait3A_121 = arith.constant 0 : i32
    %dma_wait3A_122 = tpu.memref_slice %arg2[%dma_wait3A_120, %dma_wait3A_121] : memref<50176x128xf32, #tpu.memory_space<hbm>> -> memref<50176x128xf32, #tpu.memory_space<hbm>>
    tpu.wait_indirect_dma semaphore(%arg10 : memref<!tpu.dma_semaphore, #tpu.memory_space<semaphore_mem>>) src(%dma_wait3A_122 : memref<50176x128xf32, #tpu.memory_space<hbm>>) dst(%dma_wait3A_117 : memref<128x128xf32, #tpu.memory_space<vmem>>)
    %scan3A_123 = arith.constant 0 : i32
    %scan3A_124 = arith.constant 0 : i32
    %scan3A_125 = arith.constant 8 : i32
    %scan3A_126 = arith.addi %scan3A_124, %scan3A_125 : i32
    %scan3A_127 = arith.constant 1 : i32
    %scan3A_128 = scf.for %scan3A_229 = %scan3A_124 to %scan3A_126 step %scan3A_127 iter_args(%scan3A_230 = %scan3A_123) -> (i32)  : i32 {
      %mul3A_231 = arith.constant 16 : i32
      %mul3A_232 = arith.muli %mul3A_231, %scan3A_229 : i32
      %add3A_233 = vector.broadcast %mul3A_232 : i32 to vector<16xi32>
      %add3A_234 = arith.addi %add3A_233, %iota3A : vector<16xi32>
      %mul3A_235 = arith.constant 16 : i32
      %mul3A_236 = arith.muli %mul3A_235, %scan3A_229 : i32
      %add3A_237 = arith.constant 256 : i32
      %add3A_238 = arith.addi %add3A_237, %mul3A_236 : i32
      %get3A = arith.index_cast %add3A_238 : i32 to index
      %get3A_239 = tpu.vector_load %arg6[%get3A] {strides = array<i32>} : memref<512xi32, #tpu.memory_space<vmem>>, vector<16xi32>,
      %convert_element_type3A = arith.sitofp %get3A_239 : vector<16xi32> to vector<16xf32>
      %scatter3A = arith.constant 2 : i32
      %scatter3A_240 = arith.constant 0 : i32
      %scatter3A_241 = arith.constant 0 : i32
      %scatter3A_242 = tpu.memref_slice %arg7[%scatter3A, %scatter3A_240, %scatter3A_241] : memref<4x128x128xf32, #tpu.memory_space<vmem>> -> memref<1x128x128xf32, #tpu.memory_space<vmem>>
      %scatter3A_243 = tpu.memref_squeeze %scatter3A_242 : memref<1x128x128xf32, #tpu.memory_space<vmem>> -> memref<128x128xf32, #tpu.memory_space<vmem>>
      tpu.vector_store_idx %scatter3A_243[%add3A_234, %broadcast_in_dim3A_10], %convert_element_type3A : memref<128x128xf32, #tpu.memory_space<vmem>>[vector<16xi32>, vector<16xi32>], vector<16xf32>,
      %scan3A_244 = arith.constant 0 : i32
      scf.yield %scan3A_244 : i32
    }
    %scan3A_129 = arith.constant 8 : i32
    %add3A_130 = arith.constant 256 : i32
    %add3A_131 = arith.addi %mul3A_2, %add3A_130 : i32
    %dma_start3A_132 = arith.constant 2 : i32
    %dma_start3A_133 = arith.constant 0 : i32
    %dma_start3A_134 = arith.constant 0 : i32
    %dma_start3A_135 = tpu.memref_slice %arg7[%dma_start3A_132, %dma_start3A_133, %dma_start3A_134] : memref<4x128x128xf32, #tpu.memory_space<vmem>> -> memref<1x128x128xf32, #tpu.memory_space<vmem>>
    %dma_start3A_136 = tpu.memref_squeeze %dma_start3A_135 : memref<1x128x128xf32, #tpu.memory_space<vmem>> -> memref<128x128xf32, #tpu.memory_space<vmem>>
    %dma_start3A_137 = arith.constant 0 : i32
    %dma_start3A_138 = tpu.memref_slice %arg4[%add3A_131, %dma_start3A_137] : memref<16384x128xf32, #tpu.memory_space<hbm>> -> memref<128x128xf32, #tpu.memory_space<hbm>>
    %dma_start3A_139 = arith.constant 0 : i32
    %dma_start3A_140 = tpu.memref_slice %arg4[%add3A_131, %dma_start3A_139] : memref<16384x128xf32, #tpu.memory_space<hbm>> -> memref<128x128xf32, #tpu.memory_space<hbm>>
    %dma_start3A_141 = arith.constant 0 : i32
    %dma_start3A_142 = arith.constant 0 : i32
    %dma_start3A_143 = tpu.memref_slice %arg7[%dma_start3A_132, %dma_start3A_141, %dma_start3A_142] : memref<4x128x128xf32, #tpu.memory_space<vmem>> -> memref<1x128x128xf32, #tpu.memory_space<vmem>>
    %dma_start3A_144 = tpu.memref_squeeze %dma_start3A_143 : memref<1x128x128xf32, #tpu.memory_space<vmem>> -> memref<128x128xf32, #tpu.memory_space<vmem>>
    tpu.enqueue_dma source(%dma_start3A_144 : memref<128x128xf32, #tpu.memory_space<vmem>>) target(%dma_start3A_140 : memref<128x128xf32, #tpu.memory_space<hbm>>) target_semaphore(%arg14 : memref<!tpu.dma_semaphore, #tpu.memory_space<semaphore_mem>>)
    %dma_wait3A_145 = arith.constant 3 : i32
    %dma_wait3A_146 = arith.constant 0 : i32
    %dma_wait3A_147 = arith.constant 0 : i32
    %dma_wait3A_148 = tpu.memref_slice %arg7[%dma_wait3A_145, %dma_wait3A_146, %dma_wait3A_147] : memref<4x128x128xf32, #tpu.memory_space<vmem>> -> memref<1x128x128xf32, #tpu.memory_space<vmem>>
    %dma_wait3A_149 = tpu.memref_squeeze %dma_wait3A_148 : memref<1x128x128xf32, #tpu.memory_space<vmem>> -> memref<128x128xf32, #tpu.memory_space<vmem>>
    %dma_wait3A_150 = arith.constant 384 : i32
    %dma_wait3A_151 = tpu.memref_slice %arg5[%dma_wait3A_150] : memref<512xi32, #tpu.memory_space<vmem>> -> memref<128xi32, #tpu.memory_space<vmem>>
    %dma_wait3A_152 = arith.constant 0 : i32
    %dma_wait3A_153 = arith.constant 0 : i32
    %dma_wait3A_154 = tpu.memref_slice %arg2[%dma_wait3A_152, %dma_wait3A_153] : memref<50176x128xf32, #tpu.memory_space<hbm>> -> memref<50176x128xf32, #tpu.memory_space<hbm>>
    tpu.wait_indirect_dma semaphore(%arg11 : memref<!tpu.dma_semaphore, #tpu.memory_space<semaphore_mem>>) src(%dma_wait3A_154 : memref<50176x128xf32, #tpu.memory_space<hbm>>) dst(%dma_wait3A_149 : memref<128x128xf32, #tpu.memory_space<vmem>>)
    %scan3A_155 = arith.constant 0 : i32
    %scan3A_156 = arith.constant 0 : i32
    %scan3A_157 = arith.constant 8 : i32
    %scan3A_158 = arith.addi %scan3A_156, %scan3A_157 : i32
    %scan3A_159 = arith.constant 1 : i32
    %scan3A_160 = scf.for %scan3A_229 = %scan3A_156 to %scan3A_158 step %scan3A_159 iter_args(%scan3A_230 = %scan3A_155) -> (i32)  : i32 {
      %mul3A_231 = arith.constant 16 : i32
      %mul3A_232 = arith.muli %mul3A_231, %scan3A_229 : i32
      %add3A_233 = vector.broadcast %mul3A_232 : i32 to vector<16xi32>
      %add3A_234 = arith.addi %add3A_233, %iota3A : vector<16xi32>
      %mul3A_235 = arith.constant 16 : i32
      %mul3A_236 = arith.muli %mul3A_235, %scan3A_229 : i32
      %add3A_237 = arith.constant 384 : i32
      %add3A_238 = arith.addi %add3A_237, %mul3A_236 : i32
      %get3A = arith.index_cast %add3A_238 : i32 to index
      %get3A_239 = tpu.vector_load %arg6[%get3A] {strides = array<i32>} : memref<512xi32, #tpu.memory_space<vmem>>, vector<16xi32>,
      %convert_element_type3A = arith.sitofp %get3A_239 : vector<16xi32> to vector<16xf32>
      %scatter3A = arith.constant 3 : i32
      %scatter3A_240 = arith.constant 0 : i32
      %scatter3A_241 = arith.constant 0 : i32
      %scatter3A_242 = tpu.memref_slice %arg7[%scatter3A, %scatter3A_240, %scatter3A_241] : memref<4x128x128xf32, #tpu.memory_space<vmem>> -> memref<1x128x128xf32, #tpu.memory_space<vmem>>
      %scatter3A_243 = tpu.memref_squeeze %scatter3A_242 : memref<1x128x128xf32, #tpu.memory_space<vmem>> -> memref<128x128xf32, #tpu.memory_space<vmem>>
      tpu.vector_store_idx %scatter3A_243[%add3A_234, %broadcast_in_dim3A_10], %convert_element_type3A : memref<128x128xf32, #tpu.memory_space<vmem>>[vector<16xi32>, vector<16xi32>], vector<16xf32>,
      %scan3A_244 = arith.constant 0 : i32
      scf.yield %scan3A_244 : i32
    }
    %scan3A_161 = arith.constant 8 : i32
    %add3A_162 = arith.constant 384 : i32
    %add3A_163 = arith.addi %mul3A_2, %add3A_162 : i32
    %dma_start3A_164 = arith.constant 3 : i32
    %dma_start3A_165 = arith.constant 0 : i32
    %dma_start3A_166 = arith.constant 0 : i32
    %dma_start3A_167 = tpu.memref_slice %arg7[%dma_start3A_164, %dma_start3A_165, %dma_start3A_166] : memref<4x128x128xf32, #tpu.memory_space<vmem>> -> memref<1x128x128xf32, #tpu.memory_space<vmem>>
    %dma_start3A_168 = tpu.memref_squeeze %dma_start3A_167 : memref<1x128x128xf32, #tpu.memory_space<vmem>> -> memref<128x128xf32, #tpu.memory_space<vmem>>
    %dma_start3A_169 = arith.constant 0 : i32
    %dma_start3A_170 = tpu.memref_slice %arg4[%add3A_163, %dma_start3A_169] : memref<16384x128xf32, #tpu.memory_space<hbm>> -> memref<128x128xf32, #tpu.memory_space<hbm>>
    %dma_start3A_171 = arith.constant 0 : i32
    %dma_start3A_172 = tpu.memref_slice %arg4[%add3A_163, %dma_start3A_171] : memref<16384x128xf32, #tpu.memory_space<hbm>> -> memref<128x128xf32, #tpu.memory_space<hbm>>
    %dma_start3A_173 = arith.constant 0 : i32
    %dma_start3A_174 = arith.constant 0 : i32
    %dma_start3A_175 = tpu.memref_slice %arg7[%dma_start3A_164, %dma_start3A_173, %dma_start3A_174] : memref<4x128x128xf32, #tpu.memory_space<vmem>> -> memref<1x128x128xf32, #tpu.memory_space<vmem>>
    %dma_start3A_176 = tpu.memref_squeeze %dma_start3A_175 : memref<1x128x128xf32, #tpu.memory_space<vmem>> -> memref<128x128xf32, #tpu.memory_space<vmem>>
    tpu.enqueue_dma source(%dma_start3A_176 : memref<128x128xf32, #tpu.memory_space<vmem>>) target(%dma_start3A_172 : memref<128x128xf32, #tpu.memory_space<hbm>>) target_semaphore(%arg15 : memref<!tpu.dma_semaphore, #tpu.memory_space<semaphore_mem>>)
    %dma_wait3A_177 = arith.constant 0 : i32
    %dma_wait3A_178 = arith.constant 0 : i32
    %dma_wait3A_179 = arith.constant 0 : i32
    %dma_wait3A_180 = tpu.memref_slice %arg7[%dma_wait3A_177, %dma_wait3A_178, %dma_wait3A_179] : memref<4x128x128xf32, #tpu.memory_space<vmem>> -> memref<1x128x128xf32, #tpu.memory_space<vmem>>
    %dma_wait3A_181 = tpu.memref_squeeze %dma_wait3A_180 : memref<1x128x128xf32, #tpu.memory_space<vmem>> -> memref<128x128xf32, #tpu.memory_space<vmem>>
    %dma_wait3A_182 = arith.constant 0 : i32
    %dma_wait3A_183 = tpu.memref_slice %arg4[%add3A_67, %dma_wait3A_182] : memref<16384x128xf32, #tpu.memory_space<hbm>> -> memref<128x128xf32, #tpu.memory_space<hbm>>
    %dma_wait3A_184 = arith.constant 0 : i32
    %dma_wait3A_185 = tpu.memref_slice %arg4[%add3A_67, %dma_wait3A_184] : memref<16384x128xf32, #tpu.memory_space<hbm>> -> memref<128x128xf32, #tpu.memory_space<hbm>>
    %dma_wait3A_186 = arith.constant 0 : i32
    %dma_wait3A_187 = arith.constant 0 : i32
    %dma_wait3A_188 = tpu.memref_slice %arg7[%dma_wait3A_177, %dma_wait3A_186, %dma_wait3A_187] : memref<4x128x128xf32, #tpu.memory_space<vmem>> -> memref<1x128x128xf32, #tpu.memory_space<vmem>>
    %dma_wait3A_189 = tpu.memref_squeeze %dma_wait3A_188 : memref<1x128x128xf32, #tpu.memory_space<vmem>> -> memref<128x128xf32, #tpu.memory_space<vmem>>
    tpu.wait_dma2 semaphore(%arg12 : memref<!tpu.dma_semaphore, #tpu.memory_space<semaphore_mem>>) src(%dma_wait3A_189 : memref<128x128xf32, #tpu.memory_space<vmem>>) dst(%dma_wait3A_185 : memref<128x128xf32, #tpu.memory_space<hbm>>)
    %dma_wait3A_190 = arith.constant 1 : i32
    %dma_wait3A_191 = arith.constant 0 : i32
    %dma_wait3A_192 = arith.constant 0 : i32
    %dma_wait3A_193 = tpu.memref_slice %arg7[%dma_wait3A_190, %dma_wait3A_191, %dma_wait3A_192] : memref<4x128x128xf32, #tpu.memory_space<vmem>> -> memref<1x128x128xf32, #tpu.memory_space<vmem>>
    %dma_wait3A_194 = tpu.memref_squeeze %dma_wait3A_193 : memref<1x128x128xf32, #tpu.memory_space<vmem>> -> memref<128x128xf32, #tpu.memory_space<vmem>>
    %dma_wait3A_195 = arith.constant 0 : i32
    %dma_wait3A_196 = tpu.memref_slice %arg4[%add3A_99, %dma_wait3A_195] : memref<16384x128xf32, #tpu.memory_space<hbm>> -> memref<128x128xf32, #tpu.memory_space<hbm>>
    %dma_wait3A_197 = arith.constant 0 : i32
    %dma_wait3A_198 = tpu.memref_slice %arg4[%add3A_99, %dma_wait3A_197] : memref<16384x128xf32, #tpu.memory_space<hbm>> -> memref<128x128xf32, #tpu.memory_space<hbm>>
    %dma_wait3A_199 = arith.constant 0 : i32
    %dma_wait3A_200 = arith.constant 0 : i32
    %dma_wait3A_201 = tpu.memref_slice %arg7[%dma_wait3A_190, %dma_wait3A_199, %dma_wait3A_200] : memref<4x128x128xf32, #tpu.memory_space<vmem>> -> memref<1x128x128xf32, #tpu.memory_space<vmem>>
    %dma_wait3A_202 = tpu.memref_squeeze %dma_wait3A_201 : memref<1x128x128xf32, #tpu.memory_space<vmem>> -> memref<128x128xf32, #tpu.memory_space<vmem>>
    tpu.wait_dma2 semaphore(%arg13 : memref<!tpu.dma_semaphore, #tpu.memory_space<semaphore_mem>>) src(%dma_wait3A_202 : memref<128x128xf32, #tpu.memory_space<vmem>>) dst(%dma_wait3A_198 : memref<128x128xf32, #tpu.memory_space<hbm>>)
    %dma_wait3A_203 = arith.constant 2 : i32
    %dma_wait3A_204 = arith.constant 0 : i32
    %dma_wait3A_205 = arith.constant 0 : i32
    %dma_wait3A_206 = tpu.memref_slice %arg7[%dma_wait3A_203, %dma_wait3A_204, %dma_wait3A_205] : memref<4x128x128xf32, #tpu.memory_space<vmem>> -> memref<1x128x128xf32, #tpu.memory_space<vmem>>
    %dma_wait3A_207 = tpu.memref_squeeze %dma_wait3A_206 : memref<1x128x128xf32, #tpu.memory_space<vmem>> -> memref<128x128xf32, #tpu.memory_space<vmem>>
    %dma_wait3A_208 = arith.constant 0 : i32
    %dma_wait3A_209 = tpu.memref_slice %arg4[%add3A_131, %dma_wait3A_208] : memref<16384x128xf32, #tpu.memory_space<hbm>> -> memref<128x128xf32, #tpu.memory_space<hbm>>
    %dma_wait3A_210 = arith.constant 0 : i32
    %dma_wait3A_211 = tpu.memref_slice %arg4[%add3A_131, %dma_wait3A_210] : memref<16384x128xf32, #tpu.memory_space<hbm>> -> memref<128x128xf32, #tpu.memory_space<hbm>>
    %dma_wait3A_212 = arith.constant 0 : i32
    %dma_wait3A_213 = arith.constant 0 : i32
    %dma_wait3A_214 = tpu.memref_slice %arg7[%dma_wait3A_203, %dma_wait3A_212, %dma_wait3A_213] : memref<4x128x128xf32, #tpu.memory_space<vmem>> -> memref<1x128x128xf32, #tpu.memory_space<vmem>>
    %dma_wait3A_215 = tpu.memref_squeeze %dma_wait3A_214 : memref<1x128x128xf32, #tpu.memory_space<vmem>> -> memref<128x128xf32, #tpu.memory_space<vmem>>
    tpu.wait_dma2 semaphore(%arg14 : memref<!tpu.dma_semaphore, #tpu.memory_space<semaphore_mem>>) src(%dma_wait3A_215 : memref<128x128xf32, #tpu.memory_space<vmem>>) dst(%dma_wait3A_211 : memref<128x128xf32, #tpu.memory_space<hbm>>)
    %dma_wait3A_216 = arith.constant 3 : i32
    %dma_wait3A_217 = arith.constant 0 : i32
    %dma_wait3A_218 = arith.constant 0 : i32
    %dma_wait3A_219 = tpu.memref_slice %arg7[%dma_wait3A_216, %dma_wait3A_217, %dma_wait3A_218] : memref<4x128x128xf32, #tpu.memory_space<vmem>> -> memref<1x128x128xf32, #tpu.memory_space<vmem>>
    %dma_wait3A_220 = tpu.memref_squeeze %dma_wait3A_219 : memref<1x128x128xf32, #tpu.memory_space<vmem>> -> memref<128x128xf32, #tpu.memory_space<vmem>>
    %dma_wait3A_221 = arith.constant 0 : i32
    %dma_wait3A_222 = tpu.memref_slice %arg4[%add3A_163, %dma_wait3A_221] : memref<16384x128xf32, #tpu.memory_space<hbm>> -> memref<128x128xf32, #tpu.memory_space<hbm>>
    %dma_wait3A_223 = arith.constant 0 : i32
    %dma_wait3A_224 = tpu.memref_slice %arg4[%add3A_163, %dma_wait3A_223] : memref<16384x128xf32, #tpu.memory_space<hbm>> -> memref<128x128xf32, #tpu.memory_space<hbm>>
    %dma_wait3A_225 = arith.constant 0 : i32
    %dma_wait3A_226 = arith.constant 0 : i32
    %dma_wait3A_227 = tpu.memref_slice %arg7[%dma_wait3A_216, %dma_wait3A_225, %dma_wait3A_226] : memref<4x128x128xf32, #tpu.memory_space<vmem>> -> memref<1x128x128xf32, #tpu.memory_space<vmem>>
    %dma_wait3A_228 = tpu.memref_squeeze %dma_wait3A_227 : memref<1x128x128xf32, #tpu.memory_space<vmem>> -> memref<128x128xf32, #tpu.memory_space<vmem>>
    tpu.wait_dma2 semaphore(%arg15 : memref<!tpu.dma_semaphore, #tpu.memory_space<semaphore_mem>>) src(%dma_wait3A_228 : memref<128x128xf32, #tpu.memory_space<vmem>>) dst(%dma_wait3A_224 : memref<128x128xf32, #tpu.memory_space<hbm>>)
    return
  }
}

#map = affine_map<(d0, d1) -> (0, 0)>
#map1 = affine_map<(d0, d1) -> (0)>
module attributes {stable_mosaic.version = 14 : i64} {
  func.func @gather_k(%arg0: i32, %arg1: i32, %arg2: memref<50176x128xf32, #tpu.memory_space<hbm>>, %arg3: memref<16384xi32, #tpu.memory_space<hbm>>, %arg4: memref<16384x128xf32, #tpu.memory_space<hbm>>, %arg5: memref<512xi32, #tpu.memory_space<vmem>>, %arg6: memref<512xi32, #tpu.memory_space<vmem>>, %arg7: memref<4x128x128xf32, #tpu.memory_space<vmem>>, %arg8: memref<!tpu.dma_semaphore, #tpu.memory_space<semaphore_mem>>, %arg9: memref<!tpu.dma_semaphore, #tpu.memory_space<semaphore_mem>>, %arg10: memref<!tpu.dma_semaphore, #tpu.memory_space<semaphore_mem>>, %arg11: memref<!tpu.dma_semaphore, #tpu.memory_space<semaphore_mem>>, %arg12: memref<!tpu.dma_semaphore, #tpu.memory_space<semaphore_mem>>, %arg13: memref<!tpu.dma_semaphore, #tpu.memory_space<semaphore_mem>>, %arg14: memref<!tpu.dma_semaphore, #tpu.memory_space<semaphore_mem>>, %arg15: memref<!tpu.dma_semaphore, #tpu.memory_space<semaphore_mem>>) attributes {dimension_semantics = [#tpu.dimension_semantics<core_parallel>, #tpu.dimension_semantics<subcore_parallel>], iteration_bounds = array<i64: 2, 16>, scalar_prefetch = 0 : i64, scratch_operands = 11 : i64, tpu.core_type = #tpu.core_type<sc_vector_subcore>, window_params = [{transform_indices = #map}, {transform_indices = #map1}, {transform_indices = #map}]} {
    %mul3A = arith.constant 2 : i32
    %mul3A_0 = arith.muli %arg1, %mul3A : i32
    %add3A = arith.addi %mul3A_0, %arg0 : i32
    %mul3A_1 = arith.constant 512 : i32
    %mul3A_2 = arith.muli %add3A, %mul3A_1 : i32
    "tpu.region"() ({
      %run_scoped3A = tpu.sem_alloc : memref<!tpu.dma_semaphore, #tpu.memory_space<semaphore_mem>>
      %dma_start3A_229 = tpu.memref_slice %arg3[%mul3A_2] : memref<16384xi32, #tpu.memory_space<hbm>> -> memref<512xi32, #tpu.memory_space<hbm>>
      %dma_start3A_230 = tpu.memref_slice %arg3[%mul3A_2] : memref<16384xi32, #tpu.memory_space<hbm>> -> memref<512xi32, #tpu.memory_space<hbm>>
      tpu.enqueue_dma source(%dma_start3A_230 : memref<512xi32, #tpu.memory_space<hbm>>) target(%arg5 : memref<512xi32, #tpu.memory_space<vmem>>) target_semaphore(%run_scoped3A : memref<!tpu.dma_semaphore, #tpu.memory_space<semaphore_mem>>)
      %dma_wait3A_231 = tpu.memref_slice %arg3[%mul3A_2] : memref<16384xi32, #tpu.memory_space<hbm>> -> memref<512xi32, #tpu.memory_space<hbm>>
      %dma_wait3A_232 = tpu.memref_slice %arg3[%mul3A_2] : memref<16384xi32, #tpu.memory_space<hbm>> -> memref<512xi32, #tpu.memory_space<hbm>>
      tpu.wait_dma2 semaphore(%run_scoped3A : memref<!tpu.dma_semaphore, #tpu.memory_space<semaphore_mem>>) src(%dma_wait3A_232 : memref<512xi32, #tpu.memory_space<hbm>>) dst(%arg5 : memref<512xi32, #tpu.memory_space<vmem>>)
      tpu.yield
    }) : () -> ()
    %scan3A = arith.constant 50176 : i32
    %scan3A_3 = arith.constant 0 : i32
    %scan3A_4 = arith.constant 0 : i32
    %scan3A_5 = arith.constant 32 : i32
    %scan3A_6 = arith.addi %scan3A_4, %scan3A_5 : i32
    %scan3A_7 = arith.constant 1 : i32
    %scan3A_8 = scf.for %scan3A_229 = %scan3A_4 to %scan3A_6 step %scan3A_7 iter_args(%scan3A_230 = %scan3A_3) -> (i32)  : i32 {
      %mul3A_231 = arith.constant 16 : i32
      %mul3A_232 = arith.muli %mul3A_231, %scan3A_229 : i32
      %get3A = arith.index_cast %mul3A_232 : i32 to index
      %get3A_233 = tpu.vector_load %arg5[%get3A] {strides = array<i32>} : memref<512xi32, #tpu.memory_space<vmem>>, vector<16xi32>,
      %div3A = vector.broadcast %scan3A : i32 to vector<16xi32>
      %div3A_234 = arith.divsi %get3A_233, %div3A : vector<16xi32>
      %mul3A_235 = arith.constant 16 : i32
      %mul3A_236 = arith.muli %mul3A_235, %scan3A_229 : i32
      %swap3A = arith.index_cast %mul3A_236 : i32 to index
      %swap3A_237 = tpu.vector_load %arg6[%swap3A] {strides = array<i32>} : memref<512xi32, #tpu.memory_space<vmem>>, vector<16xi32>,
      tpu.vector_store %arg6[%swap3A], %div3A_234 {strides = array<i32>} : memref<512xi32, #tpu.memory_space<vmem>>, vector<16xi32>,
      %rem3A = vector.broadcast %scan3A : i32 to vector<16xi32>
      %rem3A_238 = arith.remsi %get3A_233, %rem3A : vector<16xi32>
      %mul3A_239 = arith.constant 16 : i32
      %mul3A_240 = arith.muli %mul3A_239, %scan3A_229 : i32
      %swap3A_241 = arith.index_cast %mul3A_240 : i32 to index
      %swap3A_242 = tpu.vector_load %arg5[%swap3A_241] {strides = array<i32>} : memref<512xi32, #tpu.memory_space<vmem>>, vector<16xi32>,
      tpu.vector_store %arg5[%swap3A_241], %rem3A_238 {strides = array<i32>} : memref<512xi32, #tpu.memory_space<vmem>>, vector<16xi32>,
      %scan3A_243 = arith.constant 0 : i32
      scf.yield %scan3A_243 : i32
    }
    %scan3A_9 = arith.constant 32 : i32
    %iota3A = tpu.iota {dimensions = array<i32: 0>} : vector<16xi32>
    %broadcast_in_dim3A = arith.constant 120 : i32
    %broadcast_in_dim3A_10 = vector.broadcast %broadcast_in_dim3A : i32 to vector<16xi32>
    %dma_start3A = arith.constant 0 : i32
    %dma_start3A_11 = arith.constant 0 : i32
    %dma_start3A_12 = arith.constant 0 : i32
    %dma_start3A_13 = tpu.memref_slice %arg7[%dma_start3A, %dma_start3A_11, %dma_start3A_12] : memref<4x128x128xf32, #tpu.memory_space<vmem>> -> memref<1x128x128xf32, #tpu.memory_space<vmem>>
    %dma_start3A_14 = tpu.memref_squeeze %dma_start3A_13 : memref<1x128x128xf32, #tpu.memory_space<vmem>> -> memref<128x128xf32, #tpu.memory_space<vmem>>
    %dma_start3A_15 = arith.constant 0 : i32
    %dma_start3A_16 = tpu.memref_slice %arg5[%dma_start3A_15] : memref<512xi32, #tpu.memory_space<vmem>> -> memref<128xi32, #tpu.memory_space<vmem>>
    %dma_start3A_17 = arith.constant 0 : i32
    %dma_start3A_18 = arith.constant 0 : i32
    %dma_start3A_19 = tpu.memref_slice %arg2[%dma_start3A_17, %dma_start3A_18] : memref<50176x128xf32, #tpu.memory_space<hbm>> -> memref<50176x128xf32, #tpu.memory_space<hbm>>
    tpu.enqueue_indirect_dma source(%dma_start3A_19 : memref<50176x128xf32, #tpu.memory_space<hbm>>) target(%dma_start3A_14 : memref<128x128xf32, #tpu.memory_space<vmem>>) offsets(%dma_start3A_16 : memref<128xi32, #tpu.memory_space<vmem>>) semaphore(%arg8 : memref<!tpu.dma_semaphore, #tpu.memory_space<semaphore_mem>>)
    %dma_start3A_20 = arith.constant 1 : i32
    %dma_start3A_21 = arith.constant 0 : i32
    %dma_start3A_22 = arith.constant 0 : i32
    %dma_start3A_23 = tpu.memref_slice %arg7[%dma_start3A_20, %dma_start3A_21, %dma_start3A_22] : memref<4x128x128xf32, #tpu.memory_space<vmem>> -> memref<1x128x128xf32, #tpu.memory_space<vmem>>
    %dma_start3A_24 = tpu.memref_squeeze %dma_start3A_23 : memref<1x128x128xf32, #tpu.memory_space<vmem>> -> memref<128x128xf32, #tpu.memory_space<vmem>>
    %dma_start3A_25 = arith.constant 128 : i32
    %dma_start3A_26 = tpu.memref_slice %arg5[%dma_start3A_25] : memref<512xi32, #tpu.memory_space<vmem>> -> memref<128xi32, #tpu.memory_space<vmem>>
    %dma_start3A_27 = arith.constant 0 : i32
    %dma_start3A_28 = arith.constant 0 : i32
    %dma_start3A_29 = tpu.memref_slice %arg2[%dma_start3A_27, %dma_start3A_28] : memref<50176x128xf32, #tpu.memory_space<hbm>> -> memref<50176x128xf32, #tpu.memory_space<hbm>>
    tpu.enqueue_indirect_dma source(%dma_start3A_29 : memref<50176x128xf32, #tpu.memory_space<hbm>>) target(%dma_start3A_24 : memref<128x128xf32, #tpu.memory_space<vmem>>) offsets(%dma_start3A_26 : memref<128xi32, #tpu.memory_space<vmem>>) semaphore(%arg9 : memref<!tpu.dma_semaphore, #tpu.memory_space<semaphore_mem>>)
    %dma_start3A_30 = arith.constant 2 : i32
    %dma_start3A_31 = arith.constant 0 : i32
    %dma_start3A_32 = arith.constant 0 : i32
    %dma_start3A_33 = tpu.memref_slice %arg7[%dma_start3A_30, %dma_start3A_31, %dma_start3A_32] : memref<4x128x128xf32, #tpu.memory_space<vmem>> -> memref<1x128x128xf32, #tpu.memory_space<vmem>>
    %dma_start3A_34 = tpu.memref_squeeze %dma_start3A_33 : memref<1x128x128xf32, #tpu.memory_space<vmem>> -> memref<128x128xf32, #tpu.memory_space<vmem>>
    %dma_start3A_35 = arith.constant 256 : i32
    %dma_start3A_36 = tpu.memref_slice %arg5[%dma_start3A_35] : memref<512xi32, #tpu.memory_space<vmem>> -> memref<128xi32, #tpu.memory_space<vmem>>
    %dma_start3A_37 = arith.constant 0 : i32
    %dma_start3A_38 = arith.constant 0 : i32
    %dma_start3A_39 = tpu.memref_slice %arg2[%dma_start3A_37, %dma_start3A_38] : memref<50176x128xf32, #tpu.memory_space<hbm>> -> memref<50176x128xf32, #tpu.memory_space<hbm>>
    tpu.enqueue_indirect_dma source(%dma_start3A_39 : memref<50176x128xf32, #tpu.memory_space<hbm>>) target(%dma_start3A_34 : memref<128x128xf32, #tpu.memory_space<vmem>>) offsets(%dma_start3A_36 : memref<128xi32, #tpu.memory_space<vmem>>) semaphore(%arg10 : memref<!tpu.dma_semaphore, #tpu.memory_space<semaphore_mem>>)
    %dma_start3A_40 = arith.constant 3 : i32
    %dma_start3A_41 = arith.constant 0 : i32
    %dma_start3A_42 = arith.constant 0 : i32
    %dma_start3A_43 = tpu.memref_slice %arg7[%dma_start3A_40, %dma_start3A_41, %dma_start3A_42] : memref<4x128x128xf32, #tpu.memory_space<vmem>> -> memref<1x128x128xf32, #tpu.memory_space<vmem>>
    %dma_start3A_44 = tpu.memref_squeeze %dma_start3A_43 : memref<1x128x128xf32, #tpu.memory_space<vmem>> -> memref<128x128xf32, #tpu.memory_space<vmem>>
    %dma_start3A_45 = arith.constant 384 : i32
    %dma_start3A_46 = tpu.memref_slice %arg5[%dma_start3A_45] : memref<512xi32, #tpu.memory_space<vmem>> -> memref<128xi32, #tpu.memory_space<vmem>>
    %dma_start3A_47 = arith.constant 0 : i32
    %dma_start3A_48 = arith.constant 0 : i32
    %dma_start3A_49 = tpu.memref_slice %arg2[%dma_start3A_47, %dma_start3A_48] : memref<50176x128xf32, #tpu.memory_space<hbm>> -> memref<50176x128xf32, #tpu.memory_space<hbm>>
    tpu.enqueue_indirect_dma source(%dma_start3A_49 : memref<50176x128xf32, #tpu.memory_space<hbm>>) target(%dma_start3A_44 : memref<128x128xf32, #tpu.memory_space<vmem>>) offsets(%dma_start3A_46 : memref<128xi32, #tpu.memory_space<vmem>>) semaphore(%arg11 : memref<!tpu.dma_semaphore, #tpu.memory_space<semaphore_mem>>)
    %dma_wait3A = arith.constant 0 : i32
    %dma_wait3A_50 = arith.constant 0 : i32
    %dma_wait3A_51 = arith.constant 0 : i32
    %dma_wait3A_52 = tpu.memref_slice %arg7[%dma_wait3A, %dma_wait3A_50, %dma_wait3A_51] : memref<4x128x128xf32, #tpu.memory_space<vmem>> -> memref<1x128x128xf32, #tpu.memory_space<vmem>>
    %dma_wait3A_53 = tpu.memref_squeeze %dma_wait3A_52 : memref<1x128x128xf32, #tpu.memory_space<vmem>> -> memref<128x128xf32, #tpu.memory_space<vmem>>
    %dma_wait3A_54 = arith.constant 0 : i32
    %dma_wait3A_55 = tpu.memref_slice %arg5[%dma_wait3A_54] : memref<512xi32, #tpu.memory_space<vmem>> -> memref<128xi32, #tpu.memory_space<vmem>>
    %dma_wait3A_56 = arith.constant 0 : i32
    %dma_wait3A_57 = arith.constant 0 : i32
    %dma_wait3A_58 = tpu.memref_slice %arg2[%dma_wait3A_56, %dma_wait3A_57] : memref<50176x128xf32, #tpu.memory_space<hbm>> -> memref<50176x128xf32, #tpu.memory_space<hbm>>
    tpu.wait_indirect_dma semaphore(%arg8 : memref<!tpu.dma_semaphore, #tpu.memory_space<semaphore_mem>>) src(%dma_wait3A_58 : memref<50176x128xf32, #tpu.memory_space<hbm>>) dst(%dma_wait3A_53 : memref<128x128xf32, #tpu.memory_space<vmem>>)
    %scan3A_59 = arith.constant 0 : i32
    %scan3A_60 = arith.constant 0 : i32
    %scan3A_61 = arith.constant 8 : i32
    %scan3A_62 = arith.addi %scan3A_60, %scan3A_61 : i32
    %scan3A_63 = arith.constant 1 : i32
    %scan3A_64 = scf.for %scan3A_229 = %scan3A_60 to %scan3A_62 step %scan3A_63 iter_args(%scan3A_230 = %scan3A_59) -> (i32)  : i32 {
      %mul3A_231 = arith.constant 16 : i32
      %mul3A_232 = arith.muli %mul3A_231, %scan3A_229 : i32
      %add3A_233 = vector.broadcast %mul3A_232 : i32 to vector<16xi32>
      %add3A_234 = arith.addi %add3A_233, %iota3A : vector<16xi32>
      %mul3A_235 = arith.constant 16 : i32
      %mul3A_236 = arith.muli %mul3A_235, %scan3A_229 : i32
      %add3A_237 = arith.constant 0 : i32
      %add3A_238 = arith.addi %add3A_237, %mul3A_236 : i32
      %get3A = arith.index_cast %add3A_238 : i32 to index
      %get3A_239 = tpu.vector_load %arg6[%get3A] {strides = array<i32>} : memref<512xi32, #tpu.memory_space<vmem>>, vector<16xi32>,
      %convert_element_type3A = arith.sitofp %get3A_239 : vector<16xi32> to vector<16xf32>
      %scatter3A = arith.constant 0 : i32
      %scatter3A_240 = arith.constant 0 : i32
      %scatter3A_241 = arith.constant 0 : i32
      %scatter3A_242 = tpu.memref_slice %arg7[%scatter3A, %scatter3A_240, %scatter3A_241] : memref<4x128x128xf32, #tpu.memory_space<vmem>> -> memref<1x128x128xf32, #tpu.memory_space<vmem>>
      %scatter3A_243 = tpu.memref_squeeze %scatter3A_242 : memref<1x128x128xf32, #tpu.memory_space<vmem>> -> memref<128x128xf32, #tpu.memory_space<vmem>>
      tpu.vector_store_idx %scatter3A_243[%add3A_234, %broadcast_in_dim3A_10], %convert_element_type3A : memref<128x128xf32, #tpu.memory_space<vmem>>[vector<16xi32>, vector<16xi32>], vector<16xf32>,
      %scan3A_244 = arith.constant 0 : i32
      scf.yield %scan3A_244 : i32
    }
    %scan3A_65 = arith.constant 8 : i32
    %add3A_66 = arith.constant 0 : i32
    %add3A_67 = arith.addi %mul3A_2, %add3A_66 : i32
    %dma_start3A_68 = arith.constant 0 : i32
    %dma_start3A_69 = arith.constant 0 : i32
    %dma_start3A_70 = arith.constant 0 : i32
    %dma_start3A_71 = tpu.memref_slice %arg7[%dma_start3A_68, %dma_start3A_69, %dma_start3A_70] : memref<4x128x128xf32, #tpu.memory_space<vmem>> -> memref<1x128x128xf32, #tpu.memory_space<vmem>>
    %dma_start3A_72 = tpu.memref_squeeze %dma_start3A_71 : memref<1x128x128xf32, #tpu.memory_space<vmem>> -> memref<128x128xf32, #tpu.memory_space<vmem>>
    %dma_start3A_73 = arith.constant 0 : i32
    %dma_start3A_74 = tpu.memref_slice %arg4[%add3A_67, %dma_start3A_73] : memref<16384x128xf32, #tpu.memory_space<hbm>> -> memref<128x128xf32, #tpu.memory_space<hbm>>
    %dma_start3A_75 = arith.constant 0 : i32
    %dma_start3A_76 = tpu.memref_slice %arg4[%add3A_67, %dma_start3A_75] : memref<16384x128xf32, #tpu.memory_space<hbm>> -> memref<128x128xf32, #tpu.memory_space<hbm>>
    %dma_start3A_77 = arith.constant 0 : i32
    %dma_start3A_78 = arith.constant 0 : i32
    %dma_start3A_79 = tpu.memref_slice %arg7[%dma_start3A_68, %dma_start3A_77, %dma_start3A_78] : memref<4x128x128xf32, #tpu.memory_space<vmem>> -> memref<1x128x128xf32, #tpu.memory_space<vmem>>
    %dma_start3A_80 = tpu.memref_squeeze %dma_start3A_79 : memref<1x128x128xf32, #tpu.memory_space<vmem>> -> memref<128x128xf32, #tpu.memory_space<vmem>>
    tpu.enqueue_dma source(%dma_start3A_80 : memref<128x128xf32, #tpu.memory_space<vmem>>) target(%dma_start3A_76 : memref<128x128xf32, #tpu.memory_space<hbm>>) target_semaphore(%arg12 : memref<!tpu.dma_semaphore, #tpu.memory_space<semaphore_mem>>)
    %dma_wait3A_81 = arith.constant 1 : i32
    %dma_wait3A_82 = arith.constant 0 : i32
    %dma_wait3A_83 = arith.constant 0 : i32
    %dma_wait3A_84 = tpu.memref_slice %arg7[%dma_wait3A_81, %dma_wait3A_82, %dma_wait3A_83] : memref<4x128x128xf32, #tpu.memory_space<vmem>> -> memref<1x128x128xf32, #tpu.memory_space<vmem>>
    %dma_wait3A_85 = tpu.memref_squeeze %dma_wait3A_84 : memref<1x128x128xf32, #tpu.memory_space<vmem>> -> memref<128x128xf32, #tpu.memory_space<vmem>>
    %dma_wait3A_86 = arith.constant 128 : i32
    %dma_wait3A_87 = tpu.memref_slice %arg5[%dma_wait3A_86] : memref<512xi32, #tpu.memory_space<vmem>> -> memref<128xi32, #tpu.memory_space<vmem>>
    %dma_wait3A_88 = arith.constant 0 : i32
    %dma_wait3A_89 = arith.constant 0 : i32
    %dma_wait3A_90 = tpu.memref_slice %arg2[%dma_wait3A_88, %dma_wait3A_89] : memref<50176x128xf32, #tpu.memory_space<hbm>> -> memref<50176x128xf32, #tpu.memory_space<hbm>>
    tpu.wait_indirect_dma semaphore(%arg9 : memref<!tpu.dma_semaphore, #tpu.memory_space<semaphore_mem>>) src(%dma_wait3A_90 : memref<50176x128xf32, #tpu.memory_space<hbm>>) dst(%dma_wait3A_85 : memref<128x128xf32, #tpu.memory_space<vmem>>)
    %scan3A_91 = arith.constant 0 : i32
    %scan3A_92 = arith.constant 0 : i32
    %scan3A_93 = arith.constant 8 : i32
    %scan3A_94 = arith.addi %scan3A_92, %scan3A_93 : i32
    %scan3A_95 = arith.constant 1 : i32
    %scan3A_96 = scf.for %scan3A_229 = %scan3A_92 to %scan3A_94 step %scan3A_95 iter_args(%scan3A_230 = %scan3A_91) -> (i32)  : i32 {
      %mul3A_231 = arith.constant 16 : i32
      %mul3A_232 = arith.muli %mul3A_231, %scan3A_229 : i32
      %add3A_233 = vector.broadcast %mul3A_232 : i32 to vector<16xi32>
      %add3A_234 = arith.addi %add3A_233, %iota3A : vector<16xi32>
      %mul3A_235 = arith.constant 16 : i32
      %mul3A_236 = arith.muli %mul3A_235, %scan3A_229 : i32
      %add3A_237 = arith.constant 128 : i32
      %add3A_238 = arith.addi %add3A_237, %mul3A_236 : i32
      %get3A = arith.index_cast %add3A_238 : i32 to index
      %get3A_239 = tpu.vector_load %arg6[%get3A] {strides = array<i32>} : memref<512xi32, #tpu.memory_space<vmem>>, vector<16xi32>,
      %convert_element_type3A = arith.sitofp %get3A_239 : vector<16xi32> to vector<16xf32>
      %scatter3A = arith.constant 1 : i32
      %scatter3A_240 = arith.constant 0 : i32
      %scatter3A_241 = arith.constant 0 : i32
      %scatter3A_242 = tpu.memref_slice %arg7[%scatter3A, %scatter3A_240, %scatter3A_241] : memref<4x128x128xf32, #tpu.memory_space<vmem>> -> memref<1x128x128xf32, #tpu.memory_space<vmem>>
      %scatter3A_243 = tpu.memref_squeeze %scatter3A_242 : memref<1x128x128xf32, #tpu.memory_space<vmem>> -> memref<128x128xf32, #tpu.memory_space<vmem>>
      tpu.vector_store_idx %scatter3A_243[%add3A_234, %broadcast_in_dim3A_10], %convert_element_type3A : memref<128x128xf32, #tpu.memory_space<vmem>>[vector<16xi32>, vector<16xi32>], vector<16xf32>,
      %scan3A_244 = arith.constant 0 : i32
      scf.yield %scan3A_244 : i32
    }
    %scan3A_97 = arith.constant 8 : i32
    %add3A_98 = arith.constant 128 : i32
    %add3A_99 = arith.addi %mul3A_2, %add3A_98 : i32
    %dma_start3A_100 = arith.constant 1 : i32
    %dma_start3A_101 = arith.constant 0 : i32
    %dma_start3A_102 = arith.constant 0 : i32
    %dma_start3A_103 = tpu.memref_slice %arg7[%dma_start3A_100, %dma_start3A_101, %dma_start3A_102] : memref<4x128x128xf32, #tpu.memory_space<vmem>> -> memref<1x128x128xf32, #tpu.memory_space<vmem>>
    %dma_start3A_104 = tpu.memref_squeeze %dma_start3A_103 : memref<1x128x128xf32, #tpu.memory_space<vmem>> -> memref<128x128xf32, #tpu.memory_space<vmem>>
    %dma_start3A_105 = arith.constant 0 : i32
    %dma_start3A_106 = tpu.memref_slice %arg4[%add3A_99, %dma_start3A_105] : memref<16384x128xf32, #tpu.memory_space<hbm>> -> memref<128x128xf32, #tpu.memory_space<hbm>>
    %dma_start3A_107 = arith.constant 0 : i32
    %dma_start3A_108 = tpu.memref_slice %arg4[%add3A_99, %dma_start3A_107] : memref<16384x128xf32, #tpu.memory_space<hbm>> -> memref<128x128xf32, #tpu.memory_space<hbm>>
    %dma_start3A_109 = arith.constant 0 : i32
    %dma_start3A_110 = arith.constant 0 : i32
    %dma_start3A_111 = tpu.memref_slice %arg7[%dma_start3A_100, %dma_start3A_109, %dma_start3A_110] : memref<4x128x128xf32, #tpu.memory_space<vmem>> -> memref<1x128x128xf32, #tpu.memory_space<vmem>>
    %dma_start3A_112 = tpu.memref_squeeze %dma_start3A_111 : memref<1x128x128xf32, #tpu.memory_space<vmem>> -> memref<128x128xf32, #tpu.memory_space<vmem>>
    tpu.enqueue_dma source(%dma_start3A_112 : memref<128x128xf32, #tpu.memory_space<vmem>>) target(%dma_start3A_108 : memref<128x128xf32, #tpu.memory_space<hbm>>) target_semaphore(%arg13 : memref<!tpu.dma_semaphore, #tpu.memory_space<semaphore_mem>>)
    %dma_wait3A_113 = arith.constant 2 : i32
    %dma_wait3A_114 = arith.constant 0 : i32
    %dma_wait3A_115 = arith.constant 0 : i32
    %dma_wait3A_116 = tpu.memref_slice %arg7[%dma_wait3A_113, %dma_wait3A_114, %dma_wait3A_115] : memref<4x128x128xf32, #tpu.memory_space<vmem>> -> memref<1x128x128xf32, #tpu.memory_space<vmem>>
    %dma_wait3A_117 = tpu.memref_squeeze %dma_wait3A_116 : memref<1x128x128xf32, #tpu.memory_space<vmem>> -> memref<128x128xf32, #tpu.memory_space<vmem>>
    %dma_wait3A_118 = arith.constant 256 : i32
    %dma_wait3A_119 = tpu.memref_slice %arg5[%dma_wait3A_118] : memref<512xi32, #tpu.memory_space<vmem>> -> memref<128xi32, #tpu.memory_space<vmem>>
    %dma_wait3A_120 = arith.constant 0 : i32
    %dma_wait3A_121 = arith.constant 0 : i32
    %dma_wait3A_122 = tpu.memref_slice %arg2[%dma_wait3A_120, %dma_wait3A_121] : memref<50176x128xf32, #tpu.memory_space<hbm>> -> memref<50176x128xf32, #tpu.memory_space<hbm>>
    tpu.wait_indirect_dma semaphore(%arg10 : memref<!tpu.dma_semaphore, #tpu.memory_space<semaphore_mem>>) src(%dma_wait3A_122 : memref<50176x128xf32, #tpu.memory_space<hbm>>) dst(%dma_wait3A_117 : memref<128x128xf32, #tpu.memory_space<vmem>>)
    %scan3A_123 = arith.constant 0 : i32
    %scan3A_124 = arith.constant 0 : i32
    %scan3A_125 = arith.constant 8 : i32
    %scan3A_126 = arith.addi %scan3A_124, %scan3A_125 : i32
    %scan3A_127 = arith.constant 1 : i32
    %scan3A_128 = scf.for %scan3A_229 = %scan3A_124 to %scan3A_126 step %scan3A_127 iter_args(%scan3A_230 = %scan3A_123) -> (i32)  : i32 {
      %mul3A_231 = arith.constant 16 : i32
      %mul3A_232 = arith.muli %mul3A_231, %scan3A_229 : i32
      %add3A_233 = vector.broadcast %mul3A_232 : i32 to vector<16xi32>
      %add3A_234 = arith.addi %add3A_233, %iota3A : vector<16xi32>
      %mul3A_235 = arith.constant 16 : i32
      %mul3A_236 = arith.muli %mul3A_235, %scan3A_229 : i32
      %add3A_237 = arith.constant 256 : i32
      %add3A_238 = arith.addi %add3A_237, %mul3A_236 : i32
      %get3A = arith.index_cast %add3A_238 : i32 to index
      %get3A_239 = tpu.vector_load %arg6[%get3A] {strides = array<i32>} : memref<512xi32, #tpu.memory_space<vmem>>, vector<16xi32>,
      %convert_element_type3A = arith.sitofp %get3A_239 : vector<16xi32> to vector<16xf32>
      %scatter3A = arith.constant 2 : i32
      %scatter3A_240 = arith.constant 0 : i32
      %scatter3A_241 = arith.constant 0 : i32
      %scatter3A_242 = tpu.memref_slice %arg7[%scatter3A, %scatter3A_240, %scatter3A_241] : memref<4x128x128xf32, #tpu.memory_space<vmem>> -> memref<1x128x128xf32, #tpu.memory_space<vmem>>
      %scatter3A_243 = tpu.memref_squeeze %scatter3A_242 : memref<1x128x128xf32, #tpu.memory_space<vmem>> -> memref<128x128xf32, #tpu.memory_space<vmem>>
      tpu.vector_store_idx %scatter3A_243[%add3A_234, %broadcast_in_dim3A_10], %convert_element_type3A : memref<128x128xf32, #tpu.memory_space<vmem>>[vector<16xi32>, vector<16xi32>], vector<16xf32>,
      %scan3A_244 = arith.constant 0 : i32
      scf.yield %scan3A_244 : i32
    }
    %scan3A_129 = arith.constant 8 : i32
    %add3A_130 = arith.constant 256 : i32
    %add3A_131 = arith.addi %mul3A_2, %add3A_130 : i32
    %dma_start3A_132 = arith.constant 2 : i32
    %dma_start3A_133 = arith.constant 0 : i32
    %dma_start3A_134 = arith.constant 0 : i32
    %dma_start3A_135 = tpu.memref_slice %arg7[%dma_start3A_132, %dma_start3A_133, %dma_start3A_134] : memref<4x128x128xf32, #tpu.memory_space<vmem>> -> memref<1x128x128xf32, #tpu.memory_space<vmem>>
    %dma_start3A_136 = tpu.memref_squeeze %dma_start3A_135 : memref<1x128x128xf32, #tpu.memory_space<vmem>> -> memref<128x128xf32, #tpu.memory_space<vmem>>
    %dma_start3A_137 = arith.constant 0 : i32
    %dma_start3A_138 = tpu.memref_slice %arg4[%add3A_131, %dma_start3A_137] : memref<16384x128xf32, #tpu.memory_space<hbm>> -> memref<128x128xf32, #tpu.memory_space<hbm>>
    %dma_start3A_139 = arith.constant 0 : i32
    %dma_start3A_140 = tpu.memref_slice %arg4[%add3A_131, %dma_start3A_139] : memref<16384x128xf32, #tpu.memory_space<hbm>> -> memref<128x128xf32, #tpu.memory_space<hbm>>
    %dma_start3A_141 = arith.constant 0 : i32
    %dma_start3A_142 = arith.constant 0 : i32
    %dma_start3A_143 = tpu.memref_slice %arg7[%dma_start3A_132, %dma_start3A_141, %dma_start3A_142] : memref<4x128x128xf32, #tpu.memory_space<vmem>> -> memref<1x128x128xf32, #tpu.memory_space<vmem>>
    %dma_start3A_144 = tpu.memref_squeeze %dma_start3A_143 : memref<1x128x128xf32, #tpu.memory_space<vmem>> -> memref<128x128xf32, #tpu.memory_space<vmem>>
    tpu.enqueue_dma source(%dma_start3A_144 : memref<128x128xf32, #tpu.memory_space<vmem>>) target(%dma_start3A_140 : memref<128x128xf32, #tpu.memory_space<hbm>>) target_semaphore(%arg14 : memref<!tpu.dma_semaphore, #tpu.memory_space<semaphore_mem>>)
    %dma_wait3A_145 = arith.constant 3 : i32
    %dma_wait3A_146 = arith.constant 0 : i32
    %dma_wait3A_147 = arith.constant 0 : i32
    %dma_wait3A_148 = tpu.memref_slice %arg7[%dma_wait3A_145, %dma_wait3A_146, %dma_wait3A_147] : memref<4x128x128xf32, #tpu.memory_space<vmem>> -> memref<1x128x128xf32, #tpu.memory_space<vmem>>
    %dma_wait3A_149 = tpu.memref_squeeze %dma_wait3A_148 : memref<1x128x128xf32, #tpu.memory_space<vmem>> -> memref<128x128xf32, #tpu.memory_space<vmem>>
    %dma_wait3A_150 = arith.constant 384 : i32
    %dma_wait3A_151 = tpu.memref_slice %arg5[%dma_wait3A_150] : memref<512xi32, #tpu.memory_space<vmem>> -> memref<128xi32, #tpu.memory_space<vmem>>
    %dma_wait3A_152 = arith.constant 0 : i32
    %dma_wait3A_153 = arith.constant 0 : i32
    %dma_wait3A_154 = tpu.memref_slice %arg2[%dma_wait3A_152, %dma_wait3A_153] : memref<50176x128xf32, #tpu.memory_space<hbm>> -> memref<50176x128xf32, #tpu.memory_space<hbm>>
    tpu.wait_indirect_dma semaphore(%arg11 : memref<!tpu.dma_semaphore, #tpu.memory_space<semaphore_mem>>) src(%dma_wait3A_154 : memref<50176x128xf32, #tpu.memory_space<hbm>>) dst(%dma_wait3A_149 : memref<128x128xf32, #tpu.memory_space<vmem>>)
    %scan3A_155 = arith.constant 0 : i32
    %scan3A_156 = arith.constant 0 : i32
    %scan3A_157 = arith.constant 8 : i32
    %scan3A_158 = arith.addi %scan3A_156, %scan3A_157 : i32
    %scan3A_159 = arith.constant 1 : i32
    %scan3A_160 = scf.for %scan3A_229 = %scan3A_156 to %scan3A_158 step %scan3A_159 iter_args(%scan3A_230 = %scan3A_155) -> (i32)  : i32 {
      %mul3A_231 = arith.constant 16 : i32
      %mul3A_232 = arith.muli %mul3A_231, %scan3A_229 : i32
      %add3A_233 = vector.broadcast %mul3A_232 : i32 to vector<16xi32>
      %add3A_234 = arith.addi %add3A_233, %iota3A : vector<16xi32>
      %mul3A_235 = arith.constant 16 : i32
      %mul3A_236 = arith.muli %mul3A_235, %scan3A_229 : i32
      %add3A_237 = arith.constant 384 : i32
      %add3A_238 = arith.addi %add3A_237, %mul3A_236 : i32
      %get3A = arith.index_cast %add3A_238 : i32 to index
      %get3A_239 = tpu.vector_load %arg6[%get3A] {strides = array<i32>} : memref<512xi32, #tpu.memory_space<vmem>>, vector<16xi32>,
      %convert_element_type3A = arith.sitofp %get3A_239 : vector<16xi32> to vector<16xf32>
      %scatter3A = arith.constant 3 : i32
      %scatter3A_240 = arith.constant 0 : i32
      %scatter3A_241 = arith.constant 0 : i32
      %scatter3A_242 = tpu.memref_slice %arg7[%scatter3A, %scatter3A_240, %scatter3A_241] : memref<4x128x128xf32, #tpu.memory_space<vmem>> -> memref<1x128x128xf32, #tpu.memory_space<vmem>>
      %scatter3A_243 = tpu.memref_squeeze %scatter3A_242 : memref<1x128x128xf32, #tpu.memory_space<vmem>> -> memref<128x128xf32, #tpu.memory_space<vmem>>
      tpu.vector_store_idx %scatter3A_243[%add3A_234, %broadcast_in_dim3A_10], %convert_element_type3A : memref<128x128xf32, #tpu.memory_space<vmem>>[vector<16xi32>, vector<16xi32>], vector<16xf32>,
      %scan3A_244 = arith.constant 0 : i32
      scf.yield %scan3A_244 : i32
    }
    %scan3A_161 = arith.constant 8 : i32
    %add3A_162 = arith.constant 384 : i32
    %add3A_163 = arith.addi %mul3A_2, %add3A_162 : i32
    %dma_start3A_164 = arith.constant 3 : i32
    %dma_start3A_165 = arith.constant 0 : i32
    %dma_start3A_166 = arith.constant 0 : i32
    %dma_start3A_167 = tpu.memref_slice %arg7[%dma_start3A_164, %dma_start3A_165, %dma_start3A_166] : memref<4x128x128xf32, #tpu.memory_space<vmem>> -> memref<1x128x128xf32, #tpu.memory_space<vmem>>
    %dma_start3A_168 = tpu.memref_squeeze %dma_start3A_167 : memref<1x128x128xf32, #tpu.memory_space<vmem>> -> memref<128x128xf32, #tpu.memory_space<vmem>>
    %dma_start3A_169 = arith.constant 0 : i32
    %dma_start3A_170 = tpu.memref_slice %arg4[%add3A_163, %dma_start3A_169] : memref<16384x128xf32, #tpu.memory_space<hbm>> -> memref<128x128xf32, #tpu.memory_space<hbm>>
    %dma_start3A_171 = arith.constant 0 : i32
    %dma_start3A_172 = tpu.memref_slice %arg4[%add3A_163, %dma_start3A_171] : memref<16384x128xf32, #tpu.memory_space<hbm>> -> memref<128x128xf32, #tpu.memory_space<hbm>>
    %dma_start3A_173 = arith.constant 0 : i32
    %dma_start3A_174 = arith.constant 0 : i32
    %dma_start3A_175 = tpu.memref_slice %arg7[%dma_start3A_164, %dma_start3A_173, %dma_start3A_174] : memref<4x128x128xf32, #tpu.memory_space<vmem>> -> memref<1x128x128xf32, #tpu.memory_space<vmem>>
    %dma_start3A_176 = tpu.memref_squeeze %dma_start3A_175 : memref<1x128x128xf32, #tpu.memory_space<vmem>> -> memref<128x128xf32, #tpu.memory_space<vmem>>
    tpu.enqueue_dma source(%dma_start3A_176 : memref<128x128xf32, #tpu.memory_space<vmem>>) target(%dma_start3A_172 : memref<128x128xf32, #tpu.memory_space<hbm>>) target_semaphore(%arg15 : memref<!tpu.dma_semaphore, #tpu.memory_space<semaphore_mem>>)
    %dma_wait3A_177 = arith.constant 0 : i32
    %dma_wait3A_178 = arith.constant 0 : i32
    %dma_wait3A_179 = arith.constant 0 : i32
    %dma_wait3A_180 = tpu.memref_slice %arg7[%dma_wait3A_177, %dma_wait3A_178, %dma_wait3A_179] : memref<4x128x128xf32, #tpu.memory_space<vmem>> -> memref<1x128x128xf32, #tpu.memory_space<vmem>>
    %dma_wait3A_181 = tpu.memref_squeeze %dma_wait3A_180 : memref<1x128x128xf32, #tpu.memory_space<vmem>> -> memref<128x128xf32, #tpu.memory_space<vmem>>
    %dma_wait3A_182 = arith.constant 0 : i32
    %dma_wait3A_183 = tpu.memref_slice %arg4[%add3A_67, %dma_wait3A_182] : memref<16384x128xf32, #tpu.memory_space<hbm>> -> memref<128x128xf32, #tpu.memory_space<hbm>>
    %dma_wait3A_184 = arith.constant 0 : i32
    %dma_wait3A_185 = tpu.memref_slice %arg4[%add3A_67, %dma_wait3A_184] : memref<16384x128xf32, #tpu.memory_space<hbm>> -> memref<128x128xf32, #tpu.memory_space<hbm>>
    %dma_wait3A_186 = arith.constant 0 : i32
    %dma_wait3A_187 = arith.constant 0 : i32
    %dma_wait3A_188 = tpu.memref_slice %arg7[%dma_wait3A_177, %dma_wait3A_186, %dma_wait3A_187] : memref<4x128x128xf32, #tpu.memory_space<vmem>> -> memref<1x128x128xf32, #tpu.memory_space<vmem>>
    %dma_wait3A_189 = tpu.memref_squeeze %dma_wait3A_188 : memref<1x128x128xf32, #tpu.memory_space<vmem>> -> memref<128x128xf32, #tpu.memory_space<vmem>>
    tpu.wait_dma2 semaphore(%arg12 : memref<!tpu.dma_semaphore, #tpu.memory_space<semaphore_mem>>) src(%dma_wait3A_189 : memref<128x128xf32, #tpu.memory_space<vmem>>) dst(%dma_wait3A_185 : memref<128x128xf32, #tpu.memory_space<hbm>>)
    %dma_wait3A_190 = arith.constant 1 : i32
    %dma_wait3A_191 = arith.constant 0 : i32
    %dma_wait3A_192 = arith.constant 0 : i32
    %dma_wait3A_193 = tpu.memref_slice %arg7[%dma_wait3A_190, %dma_wait3A_191, %dma_wait3A_192] : memref<4x128x128xf32, #tpu.memory_space<vmem>> -> memref<1x128x128xf32, #tpu.memory_space<vmem>>
    %dma_wait3A_194 = tpu.memref_squeeze %dma_wait3A_193 : memref<1x128x128xf32, #tpu.memory_space<vmem>> -> memref<128x128xf32, #tpu.memory_space<vmem>>
    %dma_wait3A_195 = arith.constant 0 : i32
    %dma_wait3A_196 = tpu.memref_slice %arg4[%add3A_99, %dma_wait3A_195] : memref<16384x128xf32, #tpu.memory_space<hbm>> -> memref<128x128xf32, #tpu.memory_space<hbm>>
    %dma_wait3A_197 = arith.constant 0 : i32
    %dma_wait3A_198 = tpu.memref_slice %arg4[%add3A_99, %dma_wait3A_197] : memref<16384x128xf32, #tpu.memory_space<hbm>> -> memref<128x128xf32, #tpu.memory_space<hbm>>
    %dma_wait3A_199 = arith.constant 0 : i32
    %dma_wait3A_200 = arith.constant 0 : i32
    %dma_wait3A_201 = tpu.memref_slice %arg7[%dma_wait3A_190, %dma_wait3A_199, %dma_wait3A_200] : memref<4x128x128xf32, #tpu.memory_space<vmem>> -> memref<1x128x128xf32, #tpu.memory_space<vmem>>
    %dma_wait3A_202 = tpu.memref_squeeze %dma_wait3A_201 : memref<1x128x128xf32, #tpu.memory_space<vmem>> -> memref<128x128xf32, #tpu.memory_space<vmem>>
    tpu.wait_dma2 semaphore(%arg13 : memref<!tpu.dma_semaphore, #tpu.memory_space<semaphore_mem>>) src(%dma_wait3A_202 : memref<128x128xf32, #tpu.memory_space<vmem>>) dst(%dma_wait3A_198 : memref<128x128xf32, #tpu.memory_space<hbm>>)
    %dma_wait3A_203 = arith.constant 2 : i32
    %dma_wait3A_204 = arith.constant 0 : i32
    %dma_wait3A_205 = arith.constant 0 : i32
    %dma_wait3A_206 = tpu.memref_slice %arg7[%dma_wait3A_203, %dma_wait3A_204, %dma_wait3A_205] : memref<4x128x128xf32, #tpu.memory_space<vmem>> -> memref<1x128x128xf32, #tpu.memory_space<vmem>>
    %dma_wait3A_207 = tpu.memref_squeeze %dma_wait3A_206 : memref<1x128x128xf32, #tpu.memory_space<vmem>> -> memref<128x128xf32, #tpu.memory_space<vmem>>
    %dma_wait3A_208 = arith.constant 0 : i32
    %dma_wait3A_209 = tpu.memref_slice %arg4[%add3A_131, %dma_wait3A_208] : memref<16384x128xf32, #tpu.memory_space<hbm>> -> memref<128x128xf32, #tpu.memory_space<hbm>>
    %dma_wait3A_210 = arith.constant 0 : i32
    %dma_wait3A_211 = tpu.memref_slice %arg4[%add3A_131, %dma_wait3A_210] : memref<16384x128xf32, #tpu.memory_space<hbm>> -> memref<128x128xf32, #tpu.memory_space<hbm>>
    %dma_wait3A_212 = arith.constant 0 : i32
    %dma_wait3A_213 = arith.constant 0 : i32
    %dma_wait3A_214 = tpu.memref_slice %arg7[%dma_wait3A_203, %dma_wait3A_212, %dma_wait3A_213] : memref<4x128x128xf32, #tpu.memory_space<vmem>> -> memref<1x128x128xf32, #tpu.memory_space<vmem>>
    %dma_wait3A_215 = tpu.memref_squeeze %dma_wait3A_214 : memref<1x128x128xf32, #tpu.memory_space<vmem>> -> memref<128x128xf32, #tpu.memory_space<vmem>>
    tpu.wait_dma2 semaphore(%arg14 : memref<!tpu.dma_semaphore, #tpu.memory_space<semaphore_mem>>) src(%dma_wait3A_215 : memref<128x128xf32, #tpu.memory_space<vmem>>) dst(%dma_wait3A_211 : memref<128x128xf32, #tpu.memory_space<hbm>>)
    %dma_wait3A_216 = arith.constant 3 : i32
    %dma_wait3A_217 = arith.constant 0 : i32
    %dma_wait3A_218 = arith.constant 0 : i32
    %dma_wait3A_219 = tpu.memref_slice %arg7[%dma_wait3A_216, %dma_wait3A_217, %dma_wait3A_218] : memref<4x128x128xf32, #tpu.memory_space<vmem>> -> memref<1x128x128xf32, #tpu.memory_space<vmem>>
    %dma_wait3A_220 = tpu.memref_squeeze %dma_wait3A_219 : memref<1x128x128xf32, #tpu.memory_space<vmem>> -> memref<128x128xf32, #tpu.memory_space<vmem>>
    %dma_wait3A_221 = arith.constant 0 : i32
    %dma_wait3A_222 = tpu.memref_slice %arg4[%add3A_163, %dma_wait3A_221] : memref<16384x128xf32, #tpu.memory_space<hbm>> -> memref<128x128xf32, #tpu.memory_space<hbm>>
    %dma_wait3A_223 = arith.constant 0 : i32
    %dma_wait3A_224 = tpu.memref_slice %arg4[%add3A_163, %dma_wait3A_223] : memref<16384x128xf32, #tpu.memory_space<hbm>> -> memref<128x128xf32, #tpu.memory_space<hbm>>
    %dma_wait3A_225 = arith.constant 0 : i32
    %dma_wait3A_226 = arith.constant 0 : i32
    %dma_wait3A_227 = tpu.memref_slice %arg7[%dma_wait3A_216, %dma_wait3A_225, %dma_wait3A_226] : memref<4x128x128xf32, #tpu.memory_space<vmem>> -> memref<1x128x128xf32, #tpu.memory_space<vmem>>
    %dma_wait3A_228 = tpu.memref_squeeze %dma_wait3A_227 : memref<1x128x128xf32, #tpu.memory_space<vmem>> -> memref<128x128xf32, #tpu.memory_space<vmem>>
    tpu.wait_dma2 semaphore(%arg15 : memref<!tpu.dma_semaphore, #tpu.memory_space<semaphore_mem>>) src(%dma_wait3A_228 : memref<128x128xf32, #tpu.memory_space<vmem>>) dst(%dma_wait3A_224 : memref<128x128xf32, #tpu.memory_space<hbm>>)
    return
  }
}

module attributes {stable_mosaic.version = 14 : i64} {
  func.func @_prep_body(%arg0: i32, %arg1: memref<20x12544xf32, #tpu.memory_space<vmem>>, %arg2: memref<20x12544xf32, #tpu.memory_space<vmem>>, %arg3: memref<1x2x20x128xf32, #tpu.memory_space<vmem>>, %arg4: memref<12544x128xf32, #tpu.memory_space<vmem>>) attributes {dimension_semantics = [#tpu.dimension_semantics<arbitrary>], iteration_bounds = array<i64: 4>, scalar_prefetch = 0 : i64, scratch_operands = 0 : i64, tpu.core_type = #tpu.core_type<tc>, window_params = [{transform_indices = @transform_0, window_bounds = array<i64: 20, 12544>}, {transform_indices = @transform_1, window_bounds = array<i64: 20, 12544>}, {pipeline_mode = #tpu.pipeline_mode<synchronous>, transform_indices = @transform_2, window_bounds = array<i64: 1, 2, 20, 128>}, {transform_indices = @transform_3, window_bounds = array<i64: 12544, 128>}]} {
    %get3A = arith.constant 0 : index
    %get3A_0 = arith.constant 0 : index
    %get3A_1 = vector.load %arg1[%get3A, %get3A_0] : memref<20x12544xf32, #tpu.memory_space<vmem>>, vector<20x12544xf32>
    %get3A_2 = arith.constant 0 : index
    %get3A_3 = arith.constant 0 : index
    %get3A_4 = arith.constant 0 : index
    %get3A_5 = arith.constant 0 : index
    %get3A_6 = vector.load %arg3[%get3A_2, %get3A_3, %get3A_4, %get3A_5] : memref<1x2x20x128xf32, #tpu.memory_space<vmem>>, vector<1x1x20x128xf32>
    %get3A_7 = vector.shape_cast %get3A_6 : vector<1x1x20x128xf32> to vector<20x128xf32>
    %dot_general3A = arith.constant dense<0.000000e+00> : vector<12544x128xf32>
    %dot_general3A_8 = tpu.matmul %get3A_1, %get3A_7, %dot_general3A {dimension_numbers = #tpu.dot_dimension_numbers<[0], [0], [1], [1], [0, 1, 1, 1], [], []>, transpose_lhs_hint = false} : vector<20x12544xf32>, vector<20x128xf32>, vector<12544x128xf32> -> vector<12544x128xf32>
    %get3A_9 = arith.constant 0 : index
    %get3A_10 = arith.constant 0 : index
    %get3A_11 = vector.load %arg2[%get3A_9, %get3A_10] : memref<20x12544xf32, #tpu.memory_space<vmem>>, vector<20x12544xf32>
    %get3A_12 = arith.constant 0 : index
    %get3A_13 = arith.constant 1 : index
    %get3A_14 = arith.constant 0 : index
    %get3A_15 = arith.constant 0 : index
    %get3A_16 = vector.load %arg3[%get3A_12, %get3A_13, %get3A_14, %get3A_15] : memref<1x2x20x128xf32, #tpu.memory_space<vmem>>, vector<1x1x20x128xf32>
    %get3A_17 = vector.shape_cast %get3A_16 : vector<1x1x20x128xf32> to vector<20x128xf32>
    %dot_general3A_18 = arith.constant dense<0.000000e+00> : vector<12544x128xf32>
    %dot_general3A_19 = tpu.matmul %get3A_11, %get3A_17, %dot_general3A_18 {dimension_numbers = #tpu.dot_dimension_numbers<[0], [0], [1], [1], [0, 1, 1, 1], [], []>, transpose_lhs_hint = false} : vector<20x12544xf32>, vector<20x128xf32>, vector<12544x128xf32> -> vector<12544x128xf32>
    %add3A = arith.addf %dot_general3A_8, %dot_general3A_19 : vector<12544x128xf32>
    %swap3A = arith.constant 0 : index
    %swap3A_20 = arith.constant 0 : index
    %swap3A_21 = vector.load %arg4[%swap3A, %swap3A_20] : memref<12544x128xf32, #tpu.memory_space<vmem>>, vector<12544x128xf32>
    tpu.vector_store %arg4[%swap3A, %swap3A_20], %add3A {strides = array<i32>} : memref<12544x128xf32, #tpu.memory_space<vmem>>, vector<12544x128xf32>,
    return
  }
  func.func @transform_0(%arg0: i32) -> (i32, i32) {
    %add3A = arith.constant 0 : i32
    %add3A_0 = arith.addi %add3A, %arg0 : i32
    %c0_i32 = arith.constant 0 : i32
    %c0_i32_1 = arith.constant 0 : i32
    return %c0_i32, %add3A_0 : i32, i32
  }
  func.func @transform_1(%arg0: i32) -> (i32, i32) {
    %add3A = arith.constant 4 : i32
    %add3A_0 = arith.addi %add3A, %arg0 : i32
    %c0_i32 = arith.constant 0 : i32
    %c0_i32_1 = arith.constant 0 : i32
    return %c0_i32, %add3A_0 : i32, i32
  }
  func.func @transform_2(%arg0: i32) -> (i32, i32, i32, i32) {
    %c0_i32 = arith.constant 0 : i32
    %c0_i32_0 = arith.constant 0 : i32
    %c0_i32_1 = arith.constant 0 : i32
    %c0_i32_2 = arith.constant 0 : i32
    %c0_i32_3 = arith.constant 0 : i32
    return %c0_i32, %c0_i32_0, %c0_i32_1, %c0_i32_2 : i32, i32, i32, i32
  }
  func.func @transform_3(%arg0: i32) -> (i32, i32) {
    %c0_i32 = arith.constant 0 : i32
    %c0_i32_0 = arith.constant 0 : i32
    return %arg0, %c0_i32 : i32, i32
  }
}

module attributes {stable_mosaic.version = 14 : i64} {
  func.func @_mlp_body(%arg0: i32, %arg1: memref<4096x128xf32, #tpu.memory_space<vmem>>, %arg2: memref<4096x128xf32, #tpu.memory_space<vmem>>, %arg3: memref<20x4096xf32, #tpu.memory_space<vmem>>, %arg4: memref<1x4096xf32, #tpu.memory_space<vmem>>, %arg5: memref<20x8xf32, #tpu.memory_space<vmem>>, %arg6: memref<1x8xf32, #tpu.memory_space<vmem>>, %arg7: memref<20x128xf32, #tpu.memory_space<vmem>>, %arg8: memref<20x128xf32, #tpu.memory_space<vmem>>, %arg9: memref<8x128xf32, #tpu.memory_space<vmem>>, %arg10: memref<1x128xf32, #tpu.memory_space<vmem>>, %arg11: memref<1x128xf32, #tpu.memory_space<vmem>>, %arg12: memref<128x64xf32, #tpu.memory_space<vmem>>, %arg13: memref<1x64xf32, #tpu.memory_space<vmem>>, %arg14: memref<64x32xf32, #tpu.memory_space<vmem>>, %arg15: memref<1x32xf32, #tpu.memory_space<vmem>>, %arg16: memref<32x5xf32, #tpu.memory_space<vmem>>, %arg17: memref<5x1xf32, #tpu.memory_space<vmem>>, %arg18: memref<5x4096xf32, #tpu.memory_space<vmem>>) attributes {dimension_semantics = [#tpu.dimension_semantics<arbitrary>], iteration_bounds = array<i64: 4>, scalar_prefetch = 0 : i64, scratch_operands = 0 : i64, tpu.core_type = #tpu.core_type<tc>, window_params = [{transform_indices = @transform_0, window_bounds = array<i64: 4096, 128>}, {transform_indices = @transform_1, window_bounds = array<i64: 4096, 128>}, {transform_indices = @transform_2, window_bounds = array<i64: 20, 4096>}, {transform_indices = @transform_3, window_bounds = array<i64: 1, 4096>}, {pipeline_mode = #tpu.pipeline_mode<synchronous>, transform_indices = @transform_4, window_bounds = array<i64: 20, 8>}, {pipeline_mode = #tpu.pipeline_mode<synchronous>, transform_indices = @transform_5, window_bounds = array<i64: 1, 8>}, {pipeline_mode = #tpu.pipeline_mode<synchronous>, transform_indices = @transform_6, window_bounds = array<i64: 20, 128>}, {pipeline_mode = #tpu.pipeline_mode<synchronous>, transform_indices = @transform_7, window_bounds = array<i64: 20, 128>}, {pipeline_mode = #tpu.pipeline_mode<synchronous>, transform_indices = @transform_8, window_bounds = array<i64: 8, 128>}, {pipeline_mode = #tpu.pipeline_mode<synchronous>, transform_indices = @transform_9, window_bounds = array<i64: 1, 128>}, {pipeline_mode = #tpu.pipeline_mode<synchronous>, transform_indices = @transform_10, window_bounds = array<i64: 1, 128>}, {pipeline_mode = #tpu.pipeline_mode<synchronous>, transform_indices = @transform_11, window_bounds = array<i64: 128, 64>}, {pipeline_mode = #tpu.pipeline_mode<synchronous>, transform_indices = @transform_12, window_bounds = array<i64: 1, 64>}, {pipeline_mode = #tpu.pipeline_mode<synchronous>, transform_indices = @transform_13, window_bounds = array<i64: 64, 32>}, {pipeline_mode = #tpu.pipeline_mode<synchronous>, transform_indices = @transform_14, window_bounds = array<i64: 1, 32>}, {pipeline_mode = #tpu.pipeline_mode<synchronous>, transform_indices = @transform_15, window_bounds = array<i64: 32, 5>}, {pipeline_mode = #tpu.pipeline_mode<synchronous>, transform_indices = @transform_16, window_bounds = array<i64: 5, 1>}, {transform_indices = @transform_17, window_bounds = array<i64: 5, 4096>}]} {
    %get3A = arith.constant 0 : index
    %get3A_0 = arith.constant 0 : index
    %get3A_1 = vector.load %arg3[%get3A, %get3A_0] : memref<20x4096xf32, #tpu.memory_space<vmem>>, vector<20x4096xf32>
    %get3A_2 = arith.constant 0 : index
    %get3A_3 = arith.constant 0 : index
    %get3A_4 = vector.load %arg5[%get3A_2, %get3A_3] : memref<20x8xf32, #tpu.memory_space<vmem>>, vector<20x8xf32>
    %dot_general3A = arith.constant dense<0.000000e+00> : vector<4096x8xf32>
    %dot_general3A_5 = tpu.matmul %get3A_1, %get3A_4, %dot_general3A {dimension_numbers = #tpu.dot_dimension_numbers<[0], [0], [1], [1], [0, 1, 1, 1], [], []>, transpose_lhs_hint = false} : vector<20x4096xf32>, vector<20x8xf32>, vector<4096x8xf32> -> vector<4096x8xf32>
    %get3A_6 = arith.constant 0 : index
    %get3A_7 = arith.constant 0 : index
    %get3A_8 = vector.load %arg6[%get3A_6, %get3A_7] : memref<1x8xf32, #tpu.memory_space<vmem>>, vector<1x8xf32>
    %add3A = vector.broadcast %get3A_8 : vector<1x8xf32> to vector<4096x8xf32>
    %add3A_9 = arith.addf %dot_general3A_5, %add3A : vector<4096x8xf32>
    %max3A = arith.constant 0.000000e+00 : f32
    %max3A_10 = vector.broadcast %max3A : f32 to vector<4096x8xf32>
    %max3A_11 = arith.maximumf %add3A_9, %max3A_10 : vector<4096x8xf32>
    %get3A_12 = arith.constant 0 : index
    %get3A_13 = arith.constant 0 : index
    %get3A_14 = vector.load %arg1[%get3A_12, %get3A_13] : memref<4096x128xf32, #tpu.memory_space<vmem>>, vector<4096x128xf32>
    %get3A_15 = arith.constant 0 : index
    %get3A_16 = arith.constant 0 : index
    %get3A_17 = vector.load %arg2[%get3A_15, %get3A_16] : memref<4096x128xf32, #tpu.memory_space<vmem>>, vector<4096x128xf32>
    %slice3A = vector.extract_strided_slice %get3A_14 {offsets = [0, 120], sizes = [4096, 1], strides = [1, 1]} : vector<4096x128xf32> to vector<4096x1xf32>
    %lt3A = arith.constant 5.000000e-01 : f32
    %lt3A_18 = vector.broadcast %lt3A : f32 to vector<4096x1xf32>
    %lt3A_19 = arith.cmpf olt, %slice3A, %lt3A_18 : vector<4096x1xf32>
    %slice3A_20 = vector.extract_strided_slice %get3A_14 {offsets = [0, 0], sizes = [4096, 20], strides = [1, 1]} : vector<4096x128xf32> to vector<4096x20xf32>
    %slice3A_21 = vector.extract_strided_slice %get3A_14 {offsets = [0, 64], sizes = [4096, 20], strides = [1, 1]} : vector<4096x128xf32> to vector<4096x20xf32>
    %broadcast_in_dim3A = vector.shape_cast %lt3A_19 : vector<4096x1xi1> to vector<4096x1xi1>
    %broadcast_in_dim3A_22 = vector.broadcast %broadcast_in_dim3A : vector<4096x1xi1> to vector<4096x20xi1>
    %select_n3A = arith.select %broadcast_in_dim3A_22, %slice3A_20, %slice3A_21 : vector<4096x20xi1>, vector<4096x20xf32>
    %slice3A_23 = vector.extract_strided_slice %get3A_17 {offsets = [0, 120], sizes = [4096, 1], strides = [1, 1]} : vector<4096x128xf32> to vector<4096x1xf32>
    %lt3A_24 = arith.constant 5.000000e-01 : f32
    %lt3A_25 = vector.broadcast %lt3A_24 : f32 to vector<4096x1xf32>
    %lt3A_26 = arith.cmpf olt, %slice3A_23, %lt3A_25 : vector<4096x1xf32>
    %slice3A_27 = vector.extract_strided_slice %get3A_17 {offsets = [0, 0], sizes = [4096, 20], strides = [1, 1]} : vector<4096x128xf32> to vector<4096x20xf32>
    %slice3A_28 = vector.extract_strided_slice %get3A_17 {offsets = [0, 64], sizes = [4096, 20], strides = [1, 1]} : vector<4096x128xf32> to vector<4096x20xf32>
    %broadcast_in_dim3A_29 = vector.shape_cast %lt3A_26 : vector<4096x1xi1> to vector<4096x1xi1>
    %broadcast_in_dim3A_30 = vector.broadcast %broadcast_in_dim3A_29 : vector<4096x1xi1> to vector<4096x20xi1>
    %select_n3A_31 = arith.select %broadcast_in_dim3A_30, %slice3A_27, %slice3A_28 : vector<4096x20xi1>, vector<4096x20xf32>
    %get3A_32 = arith.constant 0 : index
    %get3A_33 = arith.constant 0 : index
    %get3A_34 = vector.load %arg7[%get3A_32, %get3A_33] : memref<20x128xf32, #tpu.memory_space<vmem>>, vector<20x128xf32>
    %dot_general3A_35 = arith.constant dense<0.000000e+00> : vector<4096x128xf32>
    %dot_general3A_36 = tpu.matmul %select_n3A, %get3A_34, %dot_general3A_35 {dimension_numbers = #tpu.dot_dimension_numbers<[1], [0], [0], [1], [0, 0, 1, 1], [], []>, transpose_lhs_hint = false} : vector<4096x20xf32>, vector<20x128xf32>, vector<4096x128xf32> -> vector<4096x128xf32>
    %get3A_37 = arith.constant 0 : index
    %get3A_38 = arith.constant 0 : index
    %get3A_39 = vector.load %arg8[%get3A_37, %get3A_38] : memref<20x128xf32, #tpu.memory_space<vmem>>, vector<20x128xf32>
    %dot_general3A_40 = arith.constant dense<0.000000e+00> : vector<4096x128xf32>
    %dot_general3A_41 = tpu.matmul %select_n3A_31, %get3A_39, %dot_general3A_40 {dimension_numbers = #tpu.dot_dimension_numbers<[1], [0], [0], [1], [0, 0, 1, 1], [], []>, transpose_lhs_hint = false} : vector<4096x20xf32>, vector<20x128xf32>, vector<4096x128xf32> -> vector<4096x128xf32>
    %add3A_42 = arith.addf %dot_general3A_36, %dot_general3A_41 : vector<4096x128xf32>
    %get3A_43 = arith.constant 0 : index
    %get3A_44 = arith.constant 0 : index
    %get3A_45 = vector.load %arg9[%get3A_43, %get3A_44] : memref<8x128xf32, #tpu.memory_space<vmem>>, vector<8x128xf32>
    %dot_general3A_46 = arith.constant dense<0.000000e+00> : vector<4096x128xf32>
    %dot_general3A_47 = tpu.matmul %max3A_11, %get3A_45, %dot_general3A_46 {dimension_numbers = #tpu.dot_dimension_numbers<[1], [0], [0], [1], [0, 0, 1, 1], [], []>, transpose_lhs_hint = false} : vector<4096x8xf32>, vector<8x128xf32>, vector<4096x128xf32> -> vector<4096x128xf32>
    %add3A_48 = arith.addf %add3A_42, %dot_general3A_47 : vector<4096x128xf32>
    %get3A_49 = arith.constant 0 : index
    %get3A_50 = arith.constant 0 : index
    %get3A_51 = vector.load %arg4[%get3A_49, %get3A_50] : memref<1x4096xf32, #tpu.memory_space<vmem>>, vector<1x4096xf32>
    %get3A_52 = arith.constant 0 : index
    %get3A_53 = arith.constant 0 : index
    %get3A_54 = vector.load %arg10[%get3A_52, %get3A_53] : memref<1x128xf32, #tpu.memory_space<vmem>>, vector<1x128xf32>
    %dot_general3A_55 = arith.constant dense<0.000000e+00> : vector<4096x128xf32>
    %dot_general3A_56 = tpu.matmul %get3A_51, %get3A_54, %dot_general3A_55 {dimension_numbers = #tpu.dot_dimension_numbers<[0], [0], [1], [1], [0, 1, 1, 1], [], []>, transpose_lhs_hint = false} : vector<1x4096xf32>, vector<1x128xf32>, vector<4096x128xf32> -> vector<4096x128xf32>
    %add3A_57 = arith.addf %add3A_48, %dot_general3A_56 : vector<4096x128xf32>
    %get3A_58 = arith.constant 0 : index
    %get3A_59 = arith.constant 0 : index
    %get3A_60 = vector.load %arg11[%get3A_58, %get3A_59] : memref<1x128xf32, #tpu.memory_space<vmem>>, vector<1x128xf32>
    %add3A_61 = vector.broadcast %get3A_60 : vector<1x128xf32> to vector<4096x128xf32>
    %add3A_62 = arith.addf %add3A_57, %add3A_61 : vector<4096x128xf32>
    %max3A_63 = arith.constant 0.000000e+00 : f32
    %max3A_64 = vector.broadcast %max3A_63 : f32 to vector<4096x128xf32>
    %max3A_65 = arith.maximumf %add3A_62, %max3A_64 : vector<4096x128xf32>
    %get3A_66 = arith.constant 0 : index
    %get3A_67 = arith.constant 0 : index
    %get3A_68 = vector.load %arg12[%get3A_66, %get3A_67] : memref<128x64xf32, #tpu.memory_space<vmem>>, vector<128x64xf32>
    %dot_general3A_69 = arith.constant dense<0.000000e+00> : vector<4096x64xf32>
    %dot_general3A_70 = tpu.matmul %max3A_65, %get3A_68, %dot_general3A_69 {dimension_numbers = #tpu.dot_dimension_numbers<[1], [0], [0], [1], [0, 0, 1, 1], [], []>, transpose_lhs_hint = false} : vector<4096x128xf32>, vector<128x64xf32>, vector<4096x64xf32> -> vector<4096x64xf32>
    %get3A_71 = arith.constant 0 : index
    %get3A_72 = arith.constant 0 : index
    %get3A_73 = vector.load %arg13[%get3A_71, %get3A_72] : memref<1x64xf32, #tpu.memory_space<vmem>>, vector<1x64xf32>
    %add3A_74 = vector.broadcast %get3A_73 : vector<1x64xf32> to vector<4096x64xf32>
    %add3A_75 = arith.addf %dot_general3A_70, %add3A_74 : vector<4096x64xf32>
    %max3A_76 = arith.constant 0.000000e+00 : f32
    %max3A_77 = vector.broadcast %max3A_76 : f32 to vector<4096x64xf32>
    %max3A_78 = arith.maximumf %add3A_75, %max3A_77 : vector<4096x64xf32>
    %get3A_79 = arith.constant 0 : index
    %get3A_80 = arith.constant 0 : index
    %get3A_81 = vector.load %arg14[%get3A_79, %get3A_80] : memref<64x32xf32, #tpu.memory_space<vmem>>, vector<64x32xf32>
    %dot_general3A_82 = arith.constant dense<0.000000e+00> : vector<4096x32xf32>
    %dot_general3A_83 = tpu.matmul %max3A_78, %get3A_81, %dot_general3A_82 {dimension_numbers = #tpu.dot_dimension_numbers<[1], [0], [0], [1], [0, 0, 1, 1], [], []>, transpose_lhs_hint = false} : vector<4096x64xf32>, vector<64x32xf32>, vector<4096x32xf32> -> vector<4096x32xf32>
    %get3A_84 = arith.constant 0 : index
    %get3A_85 = arith.constant 0 : index
    %get3A_86 = vector.load %arg15[%get3A_84, %get3A_85] : memref<1x32xf32, #tpu.memory_space<vmem>>, vector<1x32xf32>
    %add3A_87 = vector.broadcast %get3A_86 : vector<1x32xf32> to vector<4096x32xf32>
    %add3A_88 = arith.addf %dot_general3A_83, %add3A_87 : vector<4096x32xf32>
    %max3A_89 = arith.constant 0.000000e+00 : f32
    %max3A_90 = vector.broadcast %max3A_89 : f32 to vector<4096x32xf32>
    %max3A_91 = arith.maximumf %add3A_88, %max3A_90 : vector<4096x32xf32>
    %get3A_92 = arith.constant 0 : index
    %get3A_93 = arith.constant 0 : index
    %get3A_94 = vector.load %arg16[%get3A_92, %get3A_93] : memref<32x5xf32, #tpu.memory_space<vmem>>, vector<32x5xf32>
    %dot_general3A_95 = arith.constant dense<0.000000e+00> : vector<5x4096xf32>
    %dot_general3A_96 = tpu.matmul %get3A_94, %max3A_91, %dot_general3A_95 {dimension_numbers = #tpu.dot_dimension_numbers<[0], [1], [1], [0], [0, 1, 1, 0], [], []>, transpose_lhs_hint = false} : vector<32x5xf32>, vector<4096x32xf32>, vector<5x4096xf32> -> vector<5x4096xf32>
    %get3A_97 = arith.constant 0 : index
    %get3A_98 = arith.constant 0 : index
    %get3A_99 = vector.load %arg17[%get3A_97, %get3A_98] : memref<5x1xf32, #tpu.memory_space<vmem>>, vector<5x1xf32>
    %add3A_100 = vector.broadcast %get3A_99 : vector<5x1xf32> to vector<5x4096xf32>
    %add3A_101 = arith.addf %dot_general3A_96, %add3A_100 : vector<5x4096xf32>
    %max3A_102 = arith.constant 0.000000e+00 : f32
    %max3A_103 = vector.broadcast %max3A_102 : f32 to vector<5x4096xf32>
    %max3A_104 = arith.maximumf %add3A_101, %max3A_103 : vector<5x4096xf32>
    %reduce_max3A = arith.constant dense<0xFF800000> : vector<4096xf32>
    %reduce_max3A_105 = vector.multi_reduction <maximumf>, %max3A_104, %reduce_max3A [0] : vector<5x4096xf32> to vector<4096xf32>
    %broadcast_in_dim3A_106 = vector.shape_cast %reduce_max3A_105 : vector<4096xf32> to vector<1x4096xf32>
    %sub3A = vector.broadcast %broadcast_in_dim3A_106 : vector<1x4096xf32> to vector<5x4096xf32>
    %sub3A_107 = arith.subf %max3A_104, %sub3A : vector<5x4096xf32>
    %exp3A = math.exp %sub3A_107 : vector<5x4096xf32>
    %reduce_sum3A = arith.constant dense<0.000000e+00> : vector<4096xf32>
    %reduce_sum3A_108 = vector.multi_reduction <add>, %exp3A, %reduce_sum3A [0] : vector<5x4096xf32> to vector<4096xf32>
    %broadcast_in_dim3A_109 = vector.shape_cast %reduce_sum3A_108 : vector<4096xf32> to vector<1x4096xf32>
    %div3A = vector.broadcast %broadcast_in_dim3A_109 : vector<1x4096xf32> to vector<5x4096xf32>
    %div3A_110 = arith.divf %exp3A, %div3A : vector<5x4096xf32>
    %swap3A = arith.constant 0 : index
    %swap3A_111 = arith.constant 0 : index
    %swap3A_112 = vector.load %arg18[%swap3A, %swap3A_111] : memref<5x4096xf32, #tpu.memory_space<vmem>>, vector<5x4096xf32>
    tpu.vector_store %arg18[%swap3A, %swap3A_111], %div3A_110 {strides = array<i32>} : memref<5x4096xf32, #tpu.memory_space<vmem>>, vector<5x4096xf32>,
    return
  }
  func.func @transform_0(%arg0: i32) -> (i32, i32) {
    %c0_i32 = arith.constant 0 : i32
    %c0_i32_0 = arith.constant 0 : i32
    return %arg0, %c0_i32 : i32, i32
  }
  func.func @transform_1(%arg0: i32) -> (i32, i32) {
    %c0_i32 = arith.constant 0 : i32
    %c0_i32_0 = arith.constant 0 : i32
    return %arg0, %c0_i32 : i32, i32
  }
  func.func @transform_2(%arg0: i32) -> (i32, i32) {
    %c0_i32 = arith.constant 0 : i32
    %c0_i32_0 = arith.constant 0 : i32
    return %c0_i32, %arg0 : i32, i32
  }
  func.func @transform_3(%arg0: i32) -> (i32, i32) {
    %c0_i32 = arith.constant 0 : i32
    %c0_i32_0 = arith.constant 0 : i32
    return %c0_i32, %arg0 : i32, i32
  }
  func.func @transform_4(%arg0: i32) -> (i32, i32) {
    %c0_i32 = arith.constant 0 : i32
    %c0_i32_0 = arith.constant 0 : i32
    %c0_i32_1 = arith.constant 0 : i32
    return %c0_i32, %c0_i32_0 : i32, i32
  }
  func.func @transform_5(%arg0: i32) -> (i32, i32) {
    %c0_i32 = arith.constant 0 : i32
    %c0_i32_0 = arith.constant 0 : i32
    %c0_i32_1 = arith.constant 0 : i32
    return %c0_i32, %c0_i32_0 : i32, i32
  }
  func.func @transform_6(%arg0: i32) -> (i32, i32) {
    %c0_i32 = arith.constant 0 : i32
    %c0_i32_0 = arith.constant 0 : i32
    %c0_i32_1 = arith.constant 0 : i32
    return %c0_i32, %c0_i32_0 : i32, i32
  }
  func.func @transform_7(%arg0: i32) -> (i32, i32) {
    %c0_i32 = arith.constant 0 : i32
    %c0_i32_0 = arith.constant 0 : i32
    %c0_i32_1 = arith.constant 0 : i32
    return %c0_i32, %c0_i32_0 : i32, i32
  }
  func.func @transform_8(%arg0: i32) -> (i32, i32) {
    %c0_i32 = arith.constant 0 : i32
    %c0_i32_0 = arith.constant 0 : i32
    %c0_i32_1 = arith.constant 0 : i32
    return %c0_i32, %c0_i32_0 : i32, i32
  }
  func.func @transform_9(%arg0: i32) -> (i32, i32) {
    %c0_i32 = arith.constant 0 : i32
    %c0_i32_0 = arith.constant 0 : i32
    %c0_i32_1 = arith.constant 0 : i32
    return %c0_i32, %c0_i32_0 : i32, i32
  }
  func.func @transform_10(%arg0: i32) -> (i32, i32) {
    %c0_i32 = arith.constant 0 : i32
    %c0_i32_0 = arith.constant 0 : i32
    %c0_i32_1 = arith.constant 0 : i32
    return %c0_i32, %c0_i32_0 : i32, i32
  }
  func.func @transform_11(%arg0: i32) -> (i32, i32) {
    %c0_i32 = arith.constant 0 : i32
    %c0_i32_0 = arith.constant 0 : i32
    %c0_i32_1 = arith.constant 0 : i32
    return %c0_i32, %c0_i32_0 : i32, i32
  }
  func.func @transform_12(%arg0: i32) -> (i32, i32) {
    %c0_i32 = arith.constant 0 : i32
    %c0_i32_0 = arith.constant 0 : i32
    %c0_i32_1 = arith.constant 0 : i32
    return %c0_i32, %c0_i32_0 : i32, i32
  }
  func.func @transform_13(%arg0: i32) -> (i32, i32) {
    %c0_i32 = arith.constant 0 : i32
    %c0_i32_0 = arith.constant 0 : i32
    %c0_i32_1 = arith.constant 0 : i32
    return %c0_i32, %c0_i32_0 : i32, i32
  }
  func.func @transform_14(%arg0: i32) -> (i32, i32) {
    %c0_i32 = arith.constant 0 : i32
    %c0_i32_0 = arith.constant 0 : i32
    %c0_i32_1 = arith.constant 0 : i32
    return %c0_i32, %c0_i32_0 : i32, i32
  }
  func.func @transform_15(%arg0: i32) -> (i32, i32) {
    %c0_i32 = arith.constant 0 : i32
    %c0_i32_0 = arith.constant 0 : i32
    %c0_i32_1 = arith.constant 0 : i32
    return %c0_i32, %c0_i32_0 : i32, i32
  }
  func.func @transform_16(%arg0: i32) -> (i32, i32) {
    %c0_i32 = arith.constant 0 : i32
    %c0_i32_0 = arith.constant 0 : i32
    %c0_i32_1 = arith.constant 0 : i32
    return %c0_i32, %c0_i32_0 : i32, i32
  }
  func.func @transform_17(%arg0: i32) -> (i32, i32) {
    %c0_i32 = arith.constant 0 : i32
    %c0_i32_0 = arith.constant 0 : i32
    return %c0_i32, %arg0 : i32, i32
  }
}

</mosaic_0001>

<sc_bundles>
// kernel: kernel.10.cloned.1.call-start
scs
__scs_entry_jumppad:
0x0: {  	(pc) =	sbr.rel $0x88, $3  }
0x1: {  	(tag) =	ssettag $0x0;
	lr =	simm.s32 $0x1  }
0x2: {  	[smem:$0x3F91] =	sst lr;
	_ =	strace $0xD0000000  }
0x3: {  	_ = 	snop  }
0x4: {  	_ = 	snop  }
0x5: {  	_ = 	snop  }
0x6: {  	_ = 	snop  }
0x7: {  	_ = 	snop  }
__scs_overlays_trampoline_lowered:
0x8: {  	[smem:$0x3FA0] =	sst s0  }
0x9: {  	[smem:$0x3FA1] =	sst s1  }
0xa: {  	[smem:$0x3FA2] =	sst s2  }
0xb: {  	[smem:$0x3FA3] =	sst s3  }
0xc: {  	[smem:$0x3FA4] =	sst s4  }
0xd: {  	[smem:$0x3FA5] =	sst s5  }
0xe: {  	[smem:$0x3FA6] =	sst s6  }
0xf: {  	[smem:$0x3FA7] =	sst s7  }
0x10: {  	[smem:$0x3FA8] =	sst s8  }
0x11: {  	[smem:$0x3FA9] =	sst s9;
	s0 =	simm.s32 @!p0 $0x0  }
0x12: {  	s1 =	sld [smem:$0x3F8F];
	s0 =	simm.s32 @p0 $0x1  }
0x13: {  	[smem:$0x3FAA] =	sst s0;
	s0 =	simm.s32 @!p1 $0x0  }
0x14: {  	s2 =	sld [smem:$0x3F8E];
	s0 =	simm.s32 @p1 $0x1  }
0x15: {  	[smem:$0x3FAB] =	sst s0;
	s0 =	simm.s32 @!p2 $0x0  }
0x16: {  	s3 =	sld [smem:$0x3FDB];
	s0 =	simm.s32 @p2 $0x1  }
0x17: {  	s4 =	simm.s32 $0x1BF5;
	[smem:$0x3FAD] =	sst s0  }
0x18: {  	s0 =	sld [smem:$0x3F90];
	_ =	swait.ge [sflag:s4], $0x0  }
0x19: {  	s7 =	sld [smem:$0x3F91]  }
0x1a: {  	s8 =	sadd.s32 $0xFFFFE003, lr  }
0x1b: {  	s9 =	sadd.s32 $0xFFFFFEF7, lr;
	s5 =	simm.s32 $0xFFFFFFFF;
	p2 =	slt.u32 s8, $0xFFFFF086  }
0x1c: {  	p1 =	slt.u32 s9, $0xF7A;
	s5 =	simm.s32 @!p2 $0x0  }
0x1d: {  	s5 =	simm.s32 @p1 $0x1;
	p0 =	seq.s32 s7, s2  }
0x1e: {  	s7 =	smul.u32 @!p0 $0xF7A, s2;
	p2 =	seq.s32 @!p0 s5, $0x0  }
0x1f: {  	s9 =	smul.u32 $0xF7A, s1;
	s8 =	simm.s32 @!p0 $0x1BF5;
	p2 =	por !p2, p0  }
0x20: {  	[sflag:s8] =	ssyncset.s32 @!p0 $0xFFFFF086;
	s6 =	sadd.s32 @!p0 s3, s7;
	s7 =	simm.s32 @!p0 $0x108  }
0x21: {  	s3 =	sadd.s32 s3, s9;
	s6 =	sadd.s32 @!p0 $0x88, s6;
	s7 =	simm.s32 @p2 $0x1082  }
0x22: {  	[simem:s7], [sflag:s8] =	dma.local @!p0 [hbm:s6], $0xF7A  }
0x23: {  	s9 =	sor.u32 $0xD0000000, s2;
	s6 =	simm.s32 $0x108;
	_ =	swait.ge @!p0 [sflag:s8], $0x0  }
0x24: {  	s3 =	sadd.s32 $0x88, s3;
	s6 =	simm.s32 @!p1 $0x1082;
	[sflag:s4] =	ssyncset.s32 $0xFFFFF086  }
0x25: {  	[simem:s6], [sflag:s4] =	dma.local [hbm:s3], $0xF7A  }
0x26: {  	[smem:$0x3F91] =	sst s1;
	(tag) =	ssettag s2;
	_ =	strace s9  }
0x27: {  	s1 =	sld [smem:$0x3FA1]  }
0x28: {  	s2 =	sld [smem:$0x3FA2]  }
0x29: {  	s4 =	sld [smem:$0x3FA4]  }
0x2a: {  	p0 =	seq.s32 s5, $0x0;
	s5 =	sld [smem:$0x3FA5]  }
0x2b: {  	s6 =	sld [smem:$0x3FA6]  }
0x2c: {  	s7 =	sld [smem:$0x3FA7]  }
0x2d: {  	s3 =	simm.s32 $0x108;
	s8 =	sld [smem:$0x3FA8]  }
0x2e: {  	s3 =	simm.s32 @!p0 $0x1082;
	s9 =	sld [smem:$0x3FA9]  }
0x2f: {  	lr =	sadd.s32 s0, s3;
	s0 =	sld [smem:$0x3FA0]  }
0x30: {  	s3 =	sld [smem:$0x3FA3]  }
0x31: {  	[smem:$0x3FAC] =	sst s10  }
0x32: {  	s10 =	sld [smem:$0x3FAA];
	_ =	sdelay $0x3  }
0x33: {  	p0 =	seq.s32 s10, $0x1;
	s10 =	sld [smem:$0x3FAC];
	_ =	sdelay $0x3  }
0x34: {  	[smem:$0x3FAC] =	sst s10  }
0x35: {  	s10 =	sld [smem:$0x3FAB];
	_ =	sdelay $0x3  }
0x36: {  	p1 =	seq.s32 s10, $0x1;
	s10 =	sld [smem:$0x3FAC];
	_ =	sdelay $0x3  }
0x37: {  	[smem:$0x3FAC] =	sst s10  }
0x38: {  	s10 =	sld [smem:$0x3FAD]  }
0x39: {  	_ = 	snop;
	(pc) =	sbr.ind lr, $3  }
0x3a: {  	_ = 	snop  }
0x3b: {  	_ = 	snop  }
0x3c: {  	p2 =	seq.s32 s10, $0x1;
	s10 =	sld [smem:$0x3FAC]  }
0x3d: {  	_ =	shalt  }
0x3e: {  	_ =	shalt  }
0x3f: {  	_ =	shalt  }
0x40: {  	_ =	shalt  }
0x41: {  	_ =	shalt  }
0x42: {  	_ =	shalt  }
0x43: {  	_ =	shalt  }
0x44: {  	_ =	shalt  }
0x45: {  	_ =	shalt  }
0x46: {  	_ =	shalt  }
0x47: {  	_ =	shalt  }
0x48: {  	_ =	shalt  }
0x49: {  	_ =	shalt  }
0x4a: {  	_ =	shalt  }
0x4b: {  	_ =	shalt  }
0x4c: {  	_ =	shalt  }
0x4d: {  	_ =	shalt  }
0x4e: {  	_ =	shalt  }
0x4f: {  	_ =	shalt  }
0x50: {  	_ =	shalt  }
0x51: {  	_ =	shalt  }
0x52: {  	_ =	shalt  }
0x53: {  	_ =	shalt  }
0x54: {  	_ =	shalt  }
0x55: {  	_ =	shalt  }
0x56: {  	_ =	shalt  }
0x57: {  	_ =	shalt  }
0x58: {  	_ =	shalt  }
0x59: {  	_ =	shalt  }
0x5a: {  	_ =	shalt  }
0x5b: {  	_ =	shalt  }
0x5c: {  	_ =	shalt  }
0x5d: {  	_ =	shalt  }
0x5e: {  	_ =	shalt  }
0x5f: {  	_ =	shalt  }
0x60: {  	_ =	shalt  }
0x61: {  	_ =	shalt  }
0x62: {  	_ =	shalt  }
0x63: {  	_ =	shalt  }
0x64: {  	_ =	shalt  }
0x65: {  	_ =	shalt  }
0x66: {  	_ =	shalt  }
0x67: {  	_ =	shalt  }
0x68: {  	_ =	shalt  }
0x69: {  	_ =	shalt  }
0x6a: {  	_ =	shalt  }
0x6b: {  	_ =	shalt  }
0x6c: {  	_ =	shalt  }
0x6d: {  	_ =	shalt  }
0x6e: {  	_ =	shalt  }
0x6f: {  	_ =	shalt  }
0x70: {  	_ =	shalt  }
0x71: {  	_ =	shalt  }
0x72: {  	_ =	shalt  }
0x73: {  	_ =	shalt  }
0x74: {  	_ =	shalt  }
0x75: {  	_ =	shalt  }
0x76: {  	_ =	shalt  }
0x77: {  	_ =	shalt  }
0x78: {  	_ =	shalt  }
0x79: {  	_ =	shalt  }
0x7a: {  	_ =	shalt  }
0x7b: {  	_ =	shalt  }
0x7c: {  	_ =	shalt  }
0x7d: {  	_ =	shalt  }
0x7e: {  	_ =	shalt  }
0x7f: {  	_ =	shalt  }
0x80: {  	_ =	shalt  }
0x81: {  	_ =	shalt  }
0x82: {  	_ =	shalt  }
0x83: {  	_ =	shalt  }
0x84: {  	_ =	shalt  }
0x85: {  	_ =	shalt  }
0x86: {  	_ =	shalt  }
0x87: {  	_ =	shalt  }
.Lfunc_end0:
.L_simem_size_0:
called_computation.1_lowered:
.L_overlay_start_0:
0x88: {  	s2 =	sld [smem:$0x3FD9]  }
0x89: {  	s3 =	sld [smem:$0x3FFE];
	_ =	sdelay $0x1  }
0x8a: {  	s1 =	srdreg.scid  }
0x8b: {  	s0 =	sand.u32 $0x1, s1  }
0x8c: {  	s17 =	sshll.u32 s0, $0xA;
	s2 =	sadd.s32 s3, s2  }
0x8d: {  	s2 =	sadd.s32 s2, s17  }
0x8e: {  	[smem:$0x3FB8] =	sst s2  }
0x8f: {  	_ = 	snop  }
0x90: {  	s2 =	sld [smem:$0x3FC9];
	(tm) =	ssettm $0x1  }
0x91: {  	s18 =	sld [smem:$0x3FFB];
	_ =	sdelay $0x3  }
0x92: {  	_ =	strace s18  }
0x93: {  	s3 =	sld [smem:$0x3FFC];
	_ =	sdelay $0x3  }
0x94: {  	_ =	strace s3  }
0x95: {  	s3 =	sld [smem:$0x3FFD];
	_ =	sdelay $0x3  }
0x96: {  	_ =	strace s3  }
0x97: {  	_ =	strace $0x8FFFFFFF  }
0x98: {  	s19 =	sld [smem:$0x3FDB];
	_ =	sdelay $0x1  }
0x99: {  	s4 =	simm.s32 $_scs_section_size  }
0x9a: {  	s5 =	simm.s32 $_size__tile_overlayer_lowered;
	s6 =	simm.s32 $_tile_overlayer_lowered  }
0x9b: {  	s22 =	simm.s32 $0x1BFF;
	s21 =	sshll.u32 s6, $0x1;
	s3 =	sadd.s32 s4, s19  }
0x9c: {  	s7 =	simm.s32 $0x0;
	s20 =	sshll.u32 s5, $0x1;
	s5 =	sadd.s32 s21, s3  }
0x9d: {  	[timem:s7], [sflag:s22] =	dma.local [hbm:s5], s20  }
0x9e: {  	_ =	swait.ge [sflag:s22], s20  }
0x9f: {  	s4 =	ssub.s32 $0x0, s20;
	[sflag:s22] =	ssyncset.done $0x0  }
0xa0: {  	[sflag:s22] =	ssyncadd.s32 s4;
	_ =	sdelay $0x1  }
0xa1: {  	s23 =	simm.s32 $0x1B8B  }
0xa2: {  	_ =	swait.ge [sflag:s23], $0x1  }
0xa3: {  	[sflag:s23] =	ssyncset.done $0x0  }
0xa4: {  	s25 =	simm.s32 $0x1B8E;
	s24 =	sld [smem:$0x3FFE];
	[sflag:s23] =	ssyncadd.s32 $0xFFFFFFFF  }
0xa5: {  	s26 =	simm.s32 $execute0_lowered;
	[smem:$0x3FD2] =	sst s25  }
0xa6: {  	s5 =	sshll.u32 s26, $0x1;
	_ =	strace $0x80000046;
	[dreg:$0x1] =	wrdreg $0xFFFFFFFF  }
0xa7: {  	s28 =	simm.s32 $_size_execute0_lowered;
	s3 =	sadd.s32 s3, s5;
	[dreg:$0x0] =	wrdreg $0x0  }
0xa8: {  	s5 =	sshll.u32 s28, $0x1;
	[dreg:$0x2] =	wrdreg s3  }
0xa9: {  	[dreg:$0x3] =	wrdreg s5  }
0xaa: {  	[dreg:$0x4] =	wrdreg $0xC0  }
0xab: {  	_ =	task [dreg:s7], $0x5FFFF  }
0xac: {  	[dreg:$0x1] =	wrdreg $0xFFFFFFFF  }
0xad: {  	[dreg:$0x0] =	wrdreg $0x60  }
0xae: {  	[dreg:$0x2] =	wrdreg s24  }
0xaf: {  	[dreg:$0x3] =	wrdreg s2  }
0xb0: {  	[dreg:$0x4] =	wrdreg $0xA  }
0xb1: {  	_ =	task.clear_ibuf [dreg:s7], $0x5FFFF;
	_ =	strace $0x90000046  }
0xb2: {  	s29 =	simm.s32 $0xA;
	_ =	strace $0x80000048  }
0xb3: {  	_ =	swait.ge [sflag:s29], $0x1  }
0xb4: {  	[sflag:s29] =	ssyncadd.s32 $0xFFFFFFFF  }
0xb5: {  	_ =	strace $0x90000048  }
0xb6: {  	_ =	sfence  }
0xb7: {  	s30 =	sld [smem:$0x0];
	_ =	sdelay $0x2  }
0xb8: {  	s31 =	sshll.u32 s1, $0xD;
	s1 =	sshrl.u32 s1, $0x2  }
0xb9: {  	s3 =	sand.u32 $0x4000, s31;
	s1 =	sadd.s32 s1, s30  }
0xba: {  	s0 =	sor.u32 s3, s0;
	s1 =	sshll.u32 s1, $0x11  }
0xbb: {  	s0 =	sor.u32 s1, s0  }
0xbc: {  	s0 =	sadd.s32 $0x8F2B, s0  }
0xbd: {  	[sflag:s0] =	ssyncadd.remote.s32 $0x1  }
0xbe: {  	_ =	sfence.sel $0xFFFF  }
0xbf: {  	[dreg:$0x0] =	wrdreg $0xFFFFFFFF;
	(pc) =	sbr.abs _section_cstart, $3  }
0xc0: {  	[dreg:$0x1] =	wrdreg $0xFFFFFFFF  }
0xc1: {  	_ =	task.clear_ibuf [dreg:s7], $0x2FFFF;
	_ =	strace $0x9FFFFFFF  }
0xc2: {  	(tm) =	ssettm $0x7FFFFFFF  }
0xc3: {  	_ =	shalt  }
tec
execute0_lowered:
.L_overlay_start_1:
0x0: {  	(tag) =	ssettag $0x1  }
0x1: {  	s0 =	rddreg [dreg:$0x0]  }
0x2: {  	s1 =	rddreg [dreg:$0x1];
	s2 =	srdreg.scid;
	s5 =	simm.s32 $0x0  }
0x3: {  	s3 =	stileid.u32;
	s2 =	sand.u32 $0x1, s2;
	[smem:$0x7FF] =	sst s5  }
0x4: {  	s3 =	sshll.u32 s3, $0xA;
	s24 =	sadd.s32 $0x3600, s0;
	s4 =	sshll.u32 s2, $0x9  }
0x5: {  	_ =	strace $0x80000047;
	s2 =	ssub.s32 $0x2, s2;
	s3 =	sor.u32 s4, s3  }
0x6: {  	v0 =	vimm.s32 $0xECA86420;
	s26 =	sshrl.u32 s2, $0x1;
	s25 =	sshll.u32 s3, $0x4;
	s3 =	sshrl.u32 s3, $0x3  }
0x7: {  	vm0 =	vcmask $0xB08;
	vm1 =	vcmask $0x1310;
	vm2 =	vcmask $0x1B18;
	[dreg:$0x5] =	wrdreg s24;
	s2 =	ssub.s32 s2, s26;
	s1 =	sadd.s32 s1, s3  }
0x8: {  	vm3 =	vcmask $0x300;
	vm4 =	vcmask $0x2320;
	vm5 =	vcmask $0x2B28;
	s0 =	sadd.s32 s25, s0;
	s31 =	smax.u32 s2, $0x1;
	[dreg:$0x6] =	wrdreg s1  }
0x9: {  	v2 =	vlaneseq.u32;
	vm6 =	vcmask $0x3330;
	vm7 =	vcmask $0x3B38;
	s28 =	sadd.s32 $0xC7600, s0;
	[dreg:$0xb] =	wrdreg s31  }
0xa: {  	vm8 =	vmmov $0xff;
	vm9 =	vcmask $0x704;
	vm10 =	vcmask $0xF0C;
	s29 =	sadd.s32 $0xC7E00, s0;
	[dreg:$0x7] =	wrdreg s28  }
0xb: {  	vm11 =	vcmask $0x1714;
	vm12 =	vcmask $0x1F1C;
	v0 =	vunpack.c.l.s4.s8 v0;
	s30 =	sadd.s32 $0xC8600, s0;
	[dreg:$0x8] =	wrdreg s29  }
0xc: {  	vm13 =	vcmask $0x2724;
	vm14 =	vcmask $0x2F2C;
	vm15 =	vcmask $0x3734;
	s0 =	sadd.s32 $0xC8E00, s0;
	[dreg:$0x9] =	wrdreg s30  }
0xd: {  	v1 =	vmul.u32 $0x2, v2;
	v2 =	vmul.u32 $0x80, v2;
	v0 =	vunpack.c.0.s8.s32 v0;
	s2 =	simm.s32 $0x0;
	[dreg:$0xa] =	wrdreg s0  }
.LBB2_1:
0xe: {  	[dreg:$0xc] =	wrdreg s2  }
0xf: {  	s0 =	rddreg [dreg:$0x6];
	s20 =	simm.s32 $0x9  }
0x10: {  	[tilespmem:s5], [sflag:$0x9] =	stream.linear.gather [hbm4b:s0+s5], $0x200, $0x38;
	[tilespmem:$0x10400] =	vst v63  }
0x11: {  	_ =	swait.ge [sflag:s20], $0x200  }
0x12: {  	[sflag:s20] =	ssyncset.done $0x0  }
0x13: {  	s17 =	simm.s32 $0x0;
	[sflag:s20] =	ssyncadd.s32 $0xFFFFFE00  }
0x14: {  	v3 =	vld [tilespmem:s17+$0x0];
	_ =	sdelay $0x4  }
0x15: {  	(v2sf) =	vpush v3, $0x7  }
0x16: {  	(v2sf) =	vpush v3, $0x0  }
0x17: {  	(v2sf) =	vpush v3, $0x1;
	_ =	sdelay $0x1  }
0x18: {  	(v2sf) =	vpush v3, $0x2;
	_ =	sdelay $0x2  }
0x19: {  	(v2sf) =	vpush v3, $0x3  }
0x1a: {  	(v2sf) =	vpush v3, $0x4;
	_ =	sdelay $0x1  }
0x1b: {  	(v2sf) =	vpush v3, $0xC  }
0x1c: {  	(v2sf) =	vpush v3, $0xD;
	_ =	sdelay $0x2  }
0x1d: {  	(v2sf) =	vpush v3, $0xE  }
0x1e: {  	s21 =	spop (v2sf)  }
0x1f: {  	(v2sf) =	vpush v3, $0x8;
	s1 =	smulhi.u32 $0x5397829D, s21;
	s0 =	sshra.s32 s21, $0x1F;
	s22 =	spop (v2sf)  }
0x20: {  	(v2sf) =	vpush v3, $0xF;
	s0 =	smul.u32 $0x5397829D, s0;
	s3 =	spop (v2sf)  }
0x21: {  	s11 =	sshra.s32 s22, $0x1F;
	s4 =	smulhi.u32 $0x5397829D, s3  }
0x22: {  	s23 =	spop (v2sf);
	s11 =	smul.u32 $0x5397829D, s11  }
0x23: {  	s3 =	sshra.s32 s3, $0x1F;
	s6 =	smulhi.u32 $0x5397829D, s23  }
0x24: {  	s29 =	simm.s32 $0x40;
	(v2sf) =	vpush v3, $0x9;
	s3 =	smul.u32 $0x5397829D, s3  }
0x25: {  	s5 =	sshra.s32 s23, $0x1F;
	s7 =	spop (v2sf);
	s23 =	smulhi.u32 $0x5397829D, s22  }
0x26: {  	(v2sf) =	vpush v3, $0xA;
	s28 =	sadd.s32 s0, s1;
	s5 =	smul.u32 $0x5397829D, s5;
	s8 =	spop (v2sf)  }
0x27: {  	s12 =	smulhi.u32 $0x5397829D, s7;
	s30 =	sshra.s32 s7, $0x1F;
	s10 =	sshra.s32 s8, $0x1F  }
0x28: {  	s24 =	spop (v2sf);
	s3 =	sadd.s32 s3, s4;
	s20 =	smul.u32 $0x5397829D, s30  }
0x29: {  	s15 =	smul.u32 $0x5397829D, s10;
	s25 =	spop (v2sf);
	s26 =	sshra.s32 s24, $0x1F  }
0x2a: {  	s16 =	sshra.s32 s3, $0xE;
	s14 =	sshra.s32 s3, $0x1F;
	s10 =	smulhi.u32 $0x5397829D, s24  }
0x2b: {  	(v2sf) =	vpush v3, $0x5;
	s31 =	sadd.s32 s5, s6;
	s5 =	sshrl.u32 s3, $0x1F;
	s0 =	smulhi.u32 $0x5397829D, s25  }
0x2c: {  	(v2sf) =	vpush v3, $0xB;
	s18 =	smul.u32 $0x5397829D, s26;
	s19 =	spop (v2sf);
	s2 =	sshra.s32 s25, $0x1F  }
0x2d: {  	s6 =	sshra.s32 s31, $0xE;
	s4 =	sshra.s32 s31, $0x1F;
	s1 =	smulhi.u32 $0x5397829D, s19  }
0x2e: {  	s21 =	spop (v2sf);
	s13 =	smul.u32 $0x5397829D, s2;
	s2 =	sshrl.u32 s31, $0x1F  }
0x2f: {  	s30 =	sshra.s32 s19, $0x1F;
	s22 =	spop (v2sf);
	s10 =	sadd.s32 s18, s10  }
0x30: {  	s24 =	smulhi.u32 $0x5397829D, s22;
	s26 =	sshra.s32 s22, $0x1F;
	s3 =	sadd.s32 s13, s0  }
0x31: {  	s13 =	sshra.s32 s21, $0x1F;
	s18 =	smul.u32 $0x5397829D, s26;
	s26 =	sadd.s32 s20, s12  }
0x32: {  	s12 =	sadd.s32 s11, s23;
	s20 =	smulhi.u32 $0x5397829D, s8;
	s23 =	sshra.s32 s10, $0xE  }
0x33: {  	s11 =	smul.u32 $0x5397829D, s30;
	s8 =	sshrl.u32 s28, $0x1F;
	s25 =	spop (v2sf)  }
0x34: {  	s30 =	sshra.s32 s12, $0xE;
	s9 =	smulhi.u32 $0x5397829D, s25;
	s25 =	sshra.s32 s25, $0x1F  }
0x35: {  	s0 =	sadd.s32 s18, s24;
	s31 =	spop (v2sf);
	s22 =	smul.u32 $0x5397829D, s25  }
0x36: {  	s18 =	sshra.s32 s26, $0xE;
	s24 =	sshrl.u32 s3, $0x1F;
	s19 =	smulhi.u32 $0x5397829D, s31  }
0x37: {  	s7 =	sshra.s32 s31, $0x1F;
	s31 =	sshra.s32 s3, $0xE;
	s3 =	smul.u32 $0x5397829D, s13  }
0x38: {  	s25 =	sshrl.u32 s10, $0x1F;
	s10 =	sshra.s32 s26, $0x1F;
	s7 =	smul.u32 $0x5397829D, s7  }
0x39: {  	s9 =	sadd.s32 s22, s9;
	s22 =	smulhi.u32 $0x5397829D, s21;
	s21 =	sshra.s32 s28, $0x1F  }
0x3a: {  	v5 =	vmov s23;
	s7 =	sadd.s32 s7, s19;
	s19 =	sshrl.u32 s26, $0x1F;
	s26 =	spop (v2sf);
	v4 =	vmov s21  }
0x3b: {  	v6 =	vmov s25;
	v5 =	vsel vm0, s31, v5;
	s31 =	sshra.s32 s12, $0x1F;
	s21 =	smulhi.u32 $0x5397829D, s26;
	v7 =	vsel vm3, s30, v4;
	s23 =	spop (v2sf)  }
0x3c: {  	(v2sf) =	vpush v3, $0x6;
	s12 =	sshrl.u32 s12, $0x1F;
	v4 =	vsel vm0, s24, v6;
	s26 =	sshra.s32 s26, $0x1F;
	v6 =	vsel vm9, s31, v7;
	s25 =	smulhi.u32 $0x5397829D, s23  }
.LBB2_2:
0x3d: {  	_ =	sdelay $0x8  }
0x3e: {  	s24 =	sshrl.u32 s9, $0x1F  }
0x3f: {  	s13 =	sshra.s32 s23, $0x1F;
	s26 =	smul.u32 $0x5397829D, s26;
	v7 =	vmov s12;
	v6 =	vsel vm0, s16, v6;
	s30 =	sadd.s32 s15, s20  }
0x40: {  	s13 =	smul.u32 $0x5397829D, s13;
	v7 =	vnsel vm3, $0x0, v7;
	v6 =	vsel vm10, s14, v6;
	s3 =	sadd.s32 s3, s22;
	s15 =	sshrl.u32 s30, $0x1F  }
0x41: {  	v7 =	vsel vm0, s5, v7;
	v6 =	vsel vm1, s6, v6;
	s6 =	sadd.s32 s11, s1;
	s20 =	sshra.s32 s30, $0xE;
	s14 =	sshra.s32 s3, $0xE  }
0x42: {  	s3 =	sshrl.u32 s3, $0x1F;
	s13 =	sadd.s32 s13, s25;
	v7 =	vsel vm1, s2, v7;
	v6 =	vsel vm11, s4, v6;
	s22 =	sshra.s32 s6, $0xE  }
0x43: {  	s25 =	sshra.s32 s30, $0x1F;
	s30 =	sshra.s32 s9, $0xE;
	v8 =	vmov s14;
	v9 =	vmov s3;
	v7 =	vsel vm2, s19, v7;
	s16 =	spop (v2sf)  }
0x44: {  	s6 =	sshrl.u32 s6, $0x1F;
	v6 =	vsel vm2, s18, v6;
	v5 =	vsel vm1, s22, v5;
	v8 =	vsel vm0, s30, v8;
	s31 =	smulhi.u32 $0x5397829D, s16;
	s12 =	sshra.s32 s16, $0x1F  }
0x45: {  	s2 =	sadd.s32 s26, s21;
	v4 =	vsel vm1, s6, v4;
	s22 =	sshrl.u32 s0, $0x1F;
	v9 =	vsel vm0, s24, v9;
	v6 =	vsel vm12, s10, v6;
	s12 =	smul.u32 $0x5397829D, s12  }
0x46: {  	s23 =	sshrl.u32 s7, $0x1F;
	s21 =	sshrl.u32 s2, $0x1F;
	v7 =	vsel vm4, s15, v7;
	s15 =	sshra.s32 s7, $0xE;
	v4 =	vsel vm2, s22, v4;
	v6 =	vsel vm4, s20, v6  }
0x47: {  	v9 =	vsel vm1, s23, v9;
	v8 =	vsel vm1, s15, v8;
	v6 =	vsel vm13, s25, v6;
	s16 =	sshra.s32 s13, $0xE;
	s19 =	sadd.s32 s12, s31;
	s31 =	sshra.s32 s2, $0xE  }
0x48: {  	v7 =	vsel vm5, s21, v7;
	v8 =	vsel vm2, s16, v8;
	s12 =	sshra.s32 s0, $0xE;
	s2 =	sshra.s32 s2, $0x1F;
	s26 =	sshrl.u32 s19, $0x1F;
	v6 =	vsel vm5, s31, v6  }
0x49: {  	s1 =	sshrl.u32 s13, $0x1F;
	v5 =	vsel vm2, s12, v5;
	s18 =	sshra.s32 s19, $0xE;
	v7 =	vsel vm6, s26, v7;
	v6 =	vsel vm14, s2, v6  }
0x4a: {  	s19 =	sshra.s32 s19, $0x1F;
	v5 =	vcombine.low v8, v5;
	v8 =	vsel vm2, s1, v9;
	v6 =	vsel vm6, s18, v6  }
0x4b: {  	s21 =	sshra.s32 s28, $0xE;
	v7 =	vsel vm7, s8, v7;
	v4 =	vcombine.low v8, v4;
	v6 =	vsel vm15, s19, v6  }
0x4c: {  	v7 =	vperm.xlane v7, v1;
	v5 =	vperm.xlane v5, v0;
	v6 =	vsel vm7, s21, v6  }
0x4d: {  	v4 =	vperm.xlane v4, v0;
	v6 =	vperm.xlane v6, v1;
	_ =	sdelay $0x1  }
0x4e: {  	v4 =	vsel vm8, v7, v4;
	v5 =	vsel vm8, v6, v5  }
0x4f: {  	v4 =	vadd.s32 v4, v5  }
0x50: {  	[tilespmem:s17+$0x200] =	vst v4;
	v4 =	vmul.u32 $0xFFFF3C00, v4;
	_ =	sdelay $0x1  }
0x51: {  	s20 =	smov.u32 s29;
	v3 =	vadd.s32 v3, v4  }
0x52: {  	s24 =	sshra.s32 s20, $0x2;
	[tilespmem:s17+$0x0] =	vst v3  }
0x53: {  	v3 =	vld [tilespmem:s24+$0x0];
	_ =	sdelay $0x4  }
0x54: {  	(v2sf) =	vpush v3, $0x7  }
0x55: {  	(v2sf) =	vpush v3, $0x0  }
0x56: {  	(v2sf) =	vpush v3, $0x1  }
0x57: {  	(v2sf) =	vpush v3, $0x2;
	_ =	sdelay $0x2  }
0x58: {  	(v2sf) =	vpush v3, $0x3;
	_ =	sdelay $0x1  }
0x59: {  	(v2sf) =	vpush v3, $0x4;
	_ =	sdelay $0x1  }
0x5a: {  	(v2sf) =	vpush v3, $0xC  }
0x5b: {  	(v2sf) =	vpush v3, $0xD;
	_ =	sdelay $0x2  }
0x5c: {  	(v2sf) =	vpush v3, $0xE  }
0x5d: {  	s25 =	spop (v2sf)  }
0x5e: {  	s26 =	smulhi.u32 $0x5397829D, s25;
	s30 =	sshra.s32 s25, $0x1F;
	s31 =	spop (v2sf)  }
0x5f: {  	(v2sf) =	vpush v3, $0x8;
	s2 =	smul.u32 $0x5397829D, s30;
	s6 =	spop (v2sf)  }
0x60: {  	(v2sf) =	vpush v3, $0xF;
	s7 =	smulhi.u32 $0x5397829D, s6;
	s8 =	spop (v2sf)  }
0x61: {  	s4 =	sshra.s32 s6, $0x1F;
	s9 =	smulhi.u32 $0x5397829D, s8  }
0x62: {  	[dreg:$0x3] =	wrdreg s24;
	s6 =	sshra.s32 s8, $0x1F;
	s11 =	smul.u32 $0x5397829D, s4  }
0x63: {  	s12 =	spop (v2sf);
	s6 =	smul.u32 $0x5397829D, s6  }
0x64: {  	s22 =	sshra.s32 s31, $0x1F;
	s15 =	sadd.s32 s11, s7;
	s11 =	smulhi.u32 $0x5397829D, s12  }
0x65: {  	(v2sf) =	vpush v3, $0x9;
	s13 =	sshra.s32 s12, $0x1F;
	s10 =	spop (v2sf);
	s7 =	smulhi.u32 $0x5397829D, s31  }
0x66: {  	s28 =	sadd.s32 s2, s26;
	s16 =	sshra.s32 s10, $0x1F;
	s26 =	smul.u32 $0x5397829D, s13  }
0x67: {  	s2 =	sshra.s32 s28, $0x1F;
	s18 =	spop (v2sf);
	s17 =	smul.u32 $0x5397829D, s16  }
0x68: {  	(v2sf) =	vpush v3, $0xA;
	s16 =	sshra.s32 s15, $0xE;
	s19 =	spop (v2sf);
	s25 =	smulhi.u32 $0x5397829D, s18  }
0x69: {  	s14 =	sshra.s32 s15, $0x1F;
	s20 =	sshra.s32 s18, $0x1F;
	s3 =	smulhi.u32 $0x5397829D, s19  }
0x6a: {  	s8 =	sadd.s32 s6, s9;
	s5 =	sshrl.u32 s15, $0x1F;
	s23 =	smul.u32 $0x5397829D, s20  }
0x6b: {  	v6 =	vmov s2;
	s24 =	spop (v2sf);
	s6 =	sshra.s32 s8, $0xE;
	s2 =	sshrl.u32 s8, $0x1F  }
0x6c: {  	(v2sf) =	vpush v3, $0x5;
	s4 =	sshra.s32 s8, $0x1F;
	s8 =	sadd.s32 s26, s11;
	s26 =	smul.u32 $0x5397829D, s22  }
0x6d: {  	s21 =	sshra.s32 s19, $0x1F;
	[dreg:$0x4] =	wrdreg s17;
	s1 =	smulhi.u32 $0x5397829D, s24  }
0x6e: {  	(v2sf) =	vpush v3, $0xB;
	s24 =	sshra.s32 s24, $0x1F;
	s9 =	spop (v2sf);
	s12 =	smul.u32 $0x5397829D, s21  }
0x6f: {  	s15 =	sshra.s32 s9, $0x1F;
	s31 =	spop (v2sf);
	s22 =	smulhi.u32 $0x5397829D, s9  }
0x70: {  	s13 =	sadd.s32 s23, s25;
	s9 =	sadd.s32 s26, s7;
	s11 =	smul.u32 $0x5397829D, s24  }
0x71: {  	s17 =	smulhi.u32 $0x5397829D, s31;
	s21 =	sshrl.u32 s13, $0x1F;
	s3 =	sadd.s32 s12, s3  }
0x72: {  	s18 =	sshra.s32 s31, $0x1F;
	v4 =	vmov s21;
	s12 =	sshra.s32 s3, $0xE;
	s3 =	sshrl.u32 s3, $0x1F  }
0x73: {  	s25 =	sshra.s32 s13, $0xE;
	s13 =	smul.u32 $0x5397829D, s18;
	v4 =	vsel vm0, s3, v4;
	s3 =	sshra.s32 s9, $0xE  }
0x74: {  	v6 =	vsel vm3, s3, v6;
	s3 =	smul.u32 $0x5397829D, s15;
	s0 =	spop (v2sf)  }
0x75: {  	s31 =	smulhi.u32 $0x5397829D, s0;
	s20 =	sshra.s32 s0, $0x1F  }
0x76: {  	s30 =	smul.u32 $0x5397829D, s20  }
0x77: {  	p0 =	sne.s32 s29, $0x7C0;
	s23 =	spop (v2sf);
	s20 =	smulhi.u32 $0x5397829D, s10  }
0x78: {  	s29 =	sadd.s32 $0x40, s29;
	v5 =	vmov s25;
	s0 =	smulhi.u32 $0x5397829D, s23;
	s23 =	sshra.s32 s23, $0x1F  }
0x79: {  	s19 =	sshrl.u32 s8, $0x1F;
	s24 =	sshra.s32 s9, $0x1F;
	v5 =	vsel vm0, s12, v5;
	s12 =	smul.u32 $0x5397829D, s23  }
.Ltmp0:
0x7a: {  	s18 =	sshra.s32 s8, $0xE;
	s15 =	rddreg [dreg:$0x4];
	(pc) =	sbr.rel @p0 .LBB2_2-.Ltmp0, $4  }
0x7b: {  	s10 =	sshra.s32 s8, $0x1F;
	s8 =	sshrl.u32 s28, $0x1F;
	s25 =	spop (v2sf)  }
0x7c: {  	s21 =	smulhi.u32 $0x5397829D, s25;
	s26 =	sshra.s32 s25, $0x1F;
	s7 =	sadd.s32 s12, s0  }
0x7d: {  	s12 =	sshrl.u32 s9, $0x1F;
	s0 =	sadd.s32 s13, s17;
	s23 =	spop (v2sf)  }
0x7e: {  	(v2sf) =	vpush v3, $0x6;
	v6 =	vsel vm9, s24, v6;
	s17 =	rddreg [dreg:$0x3];
	s9 =	sadd.s32 s30, s31;
	s25 =	smulhi.u32 $0x5397829D, s23  }
0x7f: {  	_ =	sdelay $0x9  }
0x80: {  	s30 =	smul.u32 $0x5397829D, s26;
	s15 =	sadd.s32 s15, s20  }
0x81: {  	v6 =	vsel vm0, s16, v6;
	s1 =	sadd.s32 s11, s1;
	s3 =	sadd.s32 s3, s22;
	s20 =	sshra.s32 s23, $0x1F  }
0x82: {  	v7 =	vmov s12;
	v6 =	vsel vm10, s14, v6;
	s22 =	sshra.s32 s15, $0xE;
	s24 =	sshra.s32 s1, $0xE;
	s26 =	sshra.s32 s15, $0x1F  }
0x83: {  	v7 =	vnsel vm3, $0x0, v7;
	s12 =	sshra.s32 s3, $0xE;
	s3 =	sshrl.u32 s3, $0x1F;
	s14 =	sshrl.u32 s9, $0x1F;
	v6 =	vsel vm1, s6, v6  }
0x84: {  	s1 =	sshrl.u32 s1, $0x1F;
	v7 =	vsel vm0, s5, v7;
	v5 =	vsel vm1, s24, v5;
	v6 =	vsel vm11, s4, v6;
	s4 =	smul.u32 $0x5397829D, s20;
	s13 =	spop (v2sf)  }
0x85: {  	s16 =	sadd.s32 s30, s21;
	v8 =	vmov s12;
	v9 =	vmov s3;
	v6 =	vsel vm2, s18, v6;
	s31 =	smulhi.u32 $0x5397829D, s13;
	s13 =	sshra.s32 s13, $0x1F  }
0x86: {  	s21 =	sshrl.u32 s15, $0x1F;
	s30 =	sshra.s32 s0, $0xE;
	v4 =	vsel vm1, s1, v4;
	v7 =	vsel vm1, s2, v7;
	v6 =	vsel vm12, s10, v6;
	s13 =	smul.u32 $0x5397829D, s13  }
0x87: {  	s23 =	sshrl.u32 s16, $0x1F;
	v5 =	vsel vm2, s30, v5;
	s2 =	sshra.s32 s16, $0x1F;
	v7 =	vsel vm2, s19, v7;
	s4 =	sadd.s32 s4, s25;
	v6 =	vsel vm4, s22, v6  }
0x88: {  	v9 =	vsel vm0, s14, v9;
	v7 =	vsel vm4, s21, v7;
	s22 =	sshrl.u32 s0, $0x1F;
	v6 =	vsel vm13, s26, v6;
	s5 =	sadd.s32 s13, s31;
	s31 =	sshra.s32 s16, $0xE  }
0x89: {  	v7 =	vsel vm5, s23, v7;
	v4 =	vsel vm2, s22, v4;
	s13 =	sshra.s32 s9, $0xE;
	s16 =	sshrl.u32 s7, $0x1F;
	s29 =	sshrl.u32 s5, $0x1F;
	v6 =	vsel vm5, s31, v6  }
0x8a: {  	s18 =	sshra.s32 s7, $0xE;
	s20 =	sshrl.u32 s4, $0x1F;
	v8 =	vsel vm0, s13, v8;
	v9 =	vsel vm1, s16, v9;
	v7 =	vsel vm6, s29, v7  }
0x8b: {  	s21 =	sshra.s32 s4, $0xE;
	s15 =	sshra.s32 s5, $0xE;
	v6 =	vsel vm14, s2, v6;
	v8 =	vsel vm1, s18, v8;
	v9 =	vsel vm2, s20, v9  }
0x8c: {  	s19 =	sshra.s32 s5, $0x1F;
	v6 =	vsel vm6, s15, v6;
	v8 =	vsel vm2, s21, v8;
	v4 =	vcombine.low v9, v4  }
0x8d: {  	s23 =	sshra.s32 s28, $0xE;
	v7 =	vsel vm7, s8, v7;
	v6 =	vsel vm15, s19, v6;
	v5 =	vcombine.low v8, v5  }
0x8e: {  	v7 =	vperm.xlane v7, v1;
	v6 =	vsel vm7, s23, v6;
	v4 =	vperm.xlane v4, v0  }
0x8f: {  	v6 =	vperm.xlane v6, v1;
	v5 =	vperm.xlane v5, v0;
	_ =	sdelay $0x1  }
0x90: {  	v4 =	vsel vm8, v7, v4;
	v5 =	vsel vm8, v6, v5  }
0x91: {  	v4 =	vadd.s32 v4, v5  }
0x92: {  	v5 =	vmul.u32 $0xFFFF3C00, v4;
	_ =	sdelay $0x1  }
0x93: {  	s24 =	simm.s32 $0x0;
	[tilespmem:s17+$0x200] =	vst v4;
	v3 =	vadd.s32 v3, v5  }
0x94: {  	s3 =	simm.s32 $0x400;
	s25 =	rddreg [dreg:$0x5];
	s26 =	simm.s32 $0x80;
	[tilespmem:s17+$0x0] =	vst v3  }
0x95: {  	[tilespmem:s3], [sflag:$0x1] =	stream.indirect.gather [hbm4b:s25+s26], $0x80, s24, s26, $0xb8;
	[tilespmem:$0x10400] =	vst v63  }
0x96: {  	s4 =	simm.s32 $0x4400  }
0x97: {  	[tilespmem:s4], [sflag:$0x2] =	stream.indirect.gather [hbm4b:s25+s26], $0x80, s26, s26, $0xb8;
	[tilespmem:$0x10400] =	vst v63  }
0x98: {  	s6 =	simm.s32 $0x8400;
	s28 =	simm.s32 $0x100  }
0x99: {  	[tilespmem:s6], [sflag:$0x3] =	stream.indirect.gather [hbm4b:s25+s26], $0x80, s28, s26, $0xb8;
	[tilespmem:$0x10400] =	vst v63  }
0x9a: {  	s30 =	simm.s32 $0xC400;
	s31 =	simm.s32 $0x1;
	s29 =	simm.s32 $0x180  }
0x9b: {  	[tilespmem:s30], [sflag:$0x4] =	stream.indirect.gather [hbm4b:s25+s26], $0x80, s29, s26, $0xb8;
	[tilespmem:$0x10400] =	vst v63  }
0x9c: {  	_ =	swait.ge [sflag:s31], $0x4000  }
0x9d: {  	s1 =	simm.s32 $0x10;
	[sflag:s31] =	ssyncset.done $0x0  }
0x9e: {  	s0 =	simm.s32 $0x200;
	s2 =	simm.s32 $0xC400;
	v3 =	vmov s24;
	[sflag:s31] =	ssyncadd.s32 $0xFFFFC000  }
.LBB2_4:
0x9f: {  	p0 =	sne.s32 s1, $0x70;
	v3 =	vshll.u32 v3, $0x7;
	v4 =	vld [tilespmem:s0+$0x0]  }
0xa0: {  	v3 =	vor.u32 v2, v3  }
0xa1: {  	v5 =	vor.u32 $0x78, v3  }
.Ltmp1:
0xa2: {  	(pc) =	sbr.rel @p0 .LBB2_4-.Ltmp1, $3  }
0xa3: {  	_ = 	snop  }
0xa4: {  	v4 =	vcvt.s32.f32 v4;
	_ =	sdelay $0x1  }
0xa5: {  	s0 =	sadd.s32 $0x10, s0;
	v3 =	vmov s1;
	s1 =	sadd.s32 $0x10, s1;
	[tilespmem:v5+s3+$0x0] =	vst.idx.msk $0xffff, v4  }
0xa6: {  	v3 =	vshll.u32 v3, $0x7;
	v4 =	vld [tilespmem:s0+$0x0]  }
0xa7: {  	v3 =	vor.u32 v2, v3  }
0xa8: {  	v3 =	vor.u32 $0x78, v3;
	_ =	sdelay $0x2  }
0xa9: {  	v4 =	vcvt.s32.f32 v4;
	_ =	sdelay $0x1  }
0xaa: {  	s1 =	simm.s32 $0x0;
	s30 =	rddreg [dreg:$0x7];
	s31 =	simm.s32 $0x2;
	[tilespmem:v3+s3+$0x0] =	vst.idx.msk $0xffff, v4  }
0xab: {  	[hbm4b:s30+s1] =	stream.linear.scatter [tilespmem:s3], [sflag:$0x5], $0x4000, $0x38;
	[tilespmem:$0x10400] =	vst v63  }
0xac: {  	_ =	swait.ge [sflag:s31], $0x4000  }
0xad: {  	s0 =	simm.s32 $0x280;
	[sflag:s31] =	ssyncset.done $0x0  }
0xae: {  	s5 =	simm.s32 $0x0;
	v3 =	vmov s1;
	s1 =	simm.s32 $0x10;
	[sflag:s31] =	ssyncadd.s32 $0xFFFFC000  }
.LBB2_6:
0xaf: {  	p0 =	sne.s32 s1, $0x70;
	v3 =	vshll.u32 v3, $0x7;
	v4 =	vld [tilespmem:s0+$0x0]  }
0xb0: {  	v3 =	vor.u32 v2, v3  }
0xb1: {  	v5 =	vor.u32 $0x78, v3  }
.Ltmp2:
0xb2: {  	(pc) =	sbr.rel @p0 .LBB2_6-.Ltmp2, $3  }
0xb3: {  	_ = 	snop  }
0xb4: {  	v4 =	vcvt.s32.f32 v4;
	_ =	sdelay $0x1  }
0xb5: {  	s0 =	sadd.s32 $0x10, s0;
	v3 =	vmov s1;
	s1 =	sadd.s32 $0x10, s1;
	[tilespmem:v5+s4+$0x0] =	vst.idx.msk $0xffff, v4  }
0xb6: {  	v3 =	vshll.u32 v3, $0x7;
	v4 =	vld [tilespmem:s0+$0x0]  }
0xb7: {  	v3 =	vor.u32 v2, v3  }
0xb8: {  	v3 =	vor.u32 $0x78, v3;
	_ =	sdelay $0x2  }
0xb9: {  	v4 =	vcvt.s32.f32 v4;
	_ =	sdelay $0x1  }
0xba: {  	s1 =	simm.s32 $0x0;
	s30 =	rddreg [dreg:$0x8];
	s31 =	simm.s32 $0x3;
	[tilespmem:v3+s4+$0x0] =	vst.idx.msk $0xffff, v4  }
0xbb: {  	[hbm4b:s30+s1] =	stream.linear.scatter [tilespmem:s4], [sflag:$0x6], $0x4000, $0x38;
	[tilespmem:$0x10400] =	vst v63  }
0xbc: {  	_ =	swait.ge [sflag:s31], $0x4000  }
0xbd: {  	[sflag:s31] =	ssyncset.done $0x0  }
0xbe: {  	s0 =	simm.s32 $0x300;
	v3 =	vmov s1;
	s1 =	simm.s32 $0x10;
	[sflag:s31] =	ssyncadd.s32 $0xFFFFC000  }
.LBB2_8:
0xbf: {  	p0 =	sne.s32 s1, $0x70;
	v3 =	vshll.u32 v3, $0x7;
	v4 =	vld [tilespmem:s0+$0x0]  }
0xc0: {  	v3 =	vor.u32 v2, v3  }
0xc1: {  	v5 =	vor.u32 $0x78, v3  }
.Ltmp3:
0xc2: {  	(pc) =	sbr.rel @p0 .LBB2_8-.Ltmp3, $3  }
0xc3: {  	_ = 	snop  }
0xc4: {  	v4 =	vcvt.s32.f32 v4;
	_ =	sdelay $0x1  }
0xc5: {  	s0 =	sadd.s32 $0x10, s0;
	v3 =	vmov s1;
	s1 =	sadd.s32 $0x10, s1;
	[tilespmem:v5+s6+$0x0] =	vst.idx.msk $0xffff, v4  }
0xc6: {  	v3 =	vshll.u32 v3, $0x7;
	v4 =	vld [tilespmem:s0+$0x0]  }
0xc7: {  	v3 =	vor.u32 v2, v3  }
0xc8: {  	v3 =	vor.u32 $0x78, v3;
	_ =	sdelay $0x2  }
0xc9: {  	v4 =	vcvt.s32.f32 v4;
	_ =	sdelay $0x1  }
0xca: {  	s1 =	simm.s32 $0x0;
	s30 =	rddreg [dreg:$0x9];
	s31 =	simm.s32 $0x4;
	[tilespmem:v3+s6+$0x0] =	vst.idx.msk $0xffff, v4  }
0xcb: {  	[hbm4b:s30+s1] =	stream.linear.scatter [tilespmem:s6], [sflag:$0x7], $0x4000, $0x38;
	[tilespmem:$0x10400] =	vst v63  }
0xcc: {  	_ =	swait.ge [sflag:s31], $0x4000  }
0xcd: {  	[sflag:s31] =	ssyncset.done $0x0  }
0xce: {  	s0 =	simm.s32 $0x380;
	v3 =	vmov s1;
	s1 =	simm.s32 $0x10;
	[sflag:s31] =	ssyncadd.s32 $0xFFFFC000  }
.LBB2_10:
0xcf: {  	p0 =	sne.s32 s1, $0x70;
	v3 =	vshll.u32 v3, $0x7;
	v4 =	vld [tilespmem:s0+$0x0]  }
0xd0: {  	v3 =	vor.u32 v2, v3  }
0xd1: {  	v5 =	vor.u32 $0x78, v3  }
.Ltmp4:
0xd2: {  	(pc) =	sbr.rel @p0 .LBB2_10-.Ltmp4, $3  }
0xd3: {  	_ = 	snop  }
0xd4: {  	v4 =	vcvt.s32.f32 v4;
	_ =	sdelay $0x1  }
0xd5: {  	s0 =	sadd.s32 $0x10, s0;
	v3 =	vmov s1;
	s1 =	sadd.s32 $0x10, s1;
	[tilespmem:v5+s2+$0x0] =	vst.idx.msk $0xffff, v4  }
0xd6: {  	v3 =	vshll.u32 v3, $0x7;
	v4 =	vld [tilespmem:s0+$0x0]  }
0xd7: {  	v3 =	vor.u32 v2, v3  }
0xd8: {  	v3 =	vor.u32 $0x78, v3;
	_ =	sdelay $0x2  }
0xd9: {  	v4 =	vcvt.s32.f32 v4;
	_ =	sdelay $0x1  }
0xda: {  	s25 =	rddreg [dreg:$0xa];
	s26 =	simm.s32 $0x5;
	[tilespmem:v3+s2+$0x0] =	vst.idx.msk $0xffff, v4  }
0xdb: {  	[hbm4b:s25+s5] =	stream.linear.scatter [tilespmem:s2], [sflag:$0x8], $0x4000, $0x38;
	[tilespmem:$0x10400] =	vst v63  }
0xdc: {  	_ =	swait.ge [sflag:s26], $0x4000  }
0xdd: {  	[sflag:s26] =	ssyncset.done $0x0  }
0xde: {  	s28 =	simm.s32 $0x6;
	[sflag:s26] =	ssyncadd.s32 $0xFFFFC000  }
0xdf: {  	_ =	swait.ge [sflag:s28], $0x4000  }
0xe0: {  	[sflag:s28] =	ssyncset.done $0x0  }
0xe1: {  	s29 =	simm.s32 $0x7;
	[sflag:s28] =	ssyncadd.s32 $0xFFFFC000  }
0xe2: {  	_ =	swait.ge [sflag:s29], $0x4000  }
0xe3: {  	[sflag:s29] =	ssyncset.done $0x0  }
0xe4: {  	s1 =	simm.s32 $0x8;
	[sflag:s29] =	ssyncadd.s32 $0xFFFFC000  }
0xe5: {  	_ =	swait.ge [sflag:s1], $0x4000  }
0xe6: {  	s30 =	rddreg [dreg:$0xc]  }
0xe7: {  	s31 =	rddreg [dreg:$0xb];
	s2 =	sadd.s32 $0x1, s30  }
0xe8: {  	p0 =	sne.s32 s2, s31  }
.Ltmp5:
0xe9: {  	_ = 	snop;
	(pc) =	sbr.rel @p0 .LBB2_1-.Ltmp5, $3  }
0xea: {  	_ =	sdelay $0x1  }
0xeb: {  	[sflag:s1] =	ssyncset.done $0x0  }
0xec: {  	[sflag:s1] =	ssyncadd.s32 $0xFFFFC000  }
0xed: {  	_ =	sfence.sel $0x180000  }
0xee: {  	[bflag:$0x0] =	sbarrier.arrive $0xFFFF  }
0xef: {  	_ =	strace $0x90000047  }
0xf0: {  	s0 =	stileid.u32;
	[bflag:$0x2] =	sbarrier.arrive $0xFFFF  }
0xf1: {  	p0 =	sne.s32 s0, $0x0;
	s0 =	rddreg [dreg:$0x2]  }
0xf2: {  	s0 =	sadd.s32 @!p0 $0x100000, s0  }
0xf3: {  	[sflag:s0] =	ssyncadd.tile.s32 @!p0 $0x1;
	_ =	shalt  }
.Lfunc_end2:
_tile_overlayer_lowered:
.L_overlay_start_2:
0xf4: {  	(tag) =	ssettag $0x2  }
0xf5: {  	s0 =	rddreg [dreg:$0x0];
	s2 =	stileid.u32  }
0xf6: {  	s1 =	rddreg [dreg:$0x1];
	p0 =	sne.s32 s2, $0x0  }
0xf7: {  	s3 =	rddreg [dreg:$0x2];
	[bflag:$0x3] =	sbarrier.arrive $0xFFFF;
	s2 =	simm.s32 @!p0 $0x1C09  }
0xf8: {  	[timem:s3], [sflag:s2] =	dma.local @!p0 [hbm:s0], s1  }
0xf9: {  	s0 =	simm.s32 @!p0 $0x9  }
0xfa: {  	_ =	swait.ge @!p0 [sflag:s0], s1  }
0xfb: {  	s1 =	ssub.s32 @!p0 $0x0, s1;
	[sflag:s0] =	ssyncset.done @!p0 $0x0  }
0xfc: {  	[sflag:s0] =	ssyncadd.s32 @!p0 s1  }
0xfd: {  	[bflag:$0x3] =	sbarrier.arrive $0xFFFF  }
0xfe: {  	_ =	shalt  }

// kernel: kernel.7.cloned.1.call-start
scs
__scs_entry_jumppad:
0x0: {  	(pc) =	sbr.rel $0x88, $3  }
0x1: {  	(tag) =	ssettag $0x0;
	lr =	simm.s32 $0x1  }
0x2: {  	[smem:$0x3F91] =	sst lr;
	_ =	strace $0xD0000000  }
0x3: {  	_ = 	snop  }
0x4: {  	_ = 	snop  }
0x5: {  	_ = 	snop  }
0x6: {  	_ = 	snop  }
0x7: {  	_ = 	snop  }
__scs_overlays_trampoline_lowered:
0x8: {  	[smem:$0x3FA0] =	sst s0  }
0x9: {  	[smem:$0x3FA1] =	sst s1  }
0xa: {  	[smem:$0x3FA2] =	sst s2  }
0xb: {  	[smem:$0x3FA3] =	sst s3  }
0xc: {  	[smem:$0x3FA4] =	sst s4  }
0xd: {  	[smem:$0x3FA5] =	sst s5  }
0xe: {  	[smem:$0x3FA6] =	sst s6  }
0xf: {  	[smem:$0x3FA7] =	sst s7  }
0x10: {  	[smem:$0x3FA8] =	sst s8  }
0x11: {  	[smem:$0x3FA9] =	sst s9;
	s0 =	simm.s32 @!p0 $0x0  }
0x12: {  	s1 =	sld [smem:$0x3F8F];
	s0 =	simm.s32 @p0 $0x1  }
0x13: {  	[smem:$0x3FAA] =	sst s0;
	s0 =	simm.s32 @!p1 $0x0  }
0x14: {  	s2 =	sld [smem:$0x3F8E];
	s0 =	simm.s32 @p1 $0x1  }
0x15: {  	[smem:$0x3FAB] =	sst s0;
	s0 =	simm.s32 @!p2 $0x0  }
0x16: {  	s3 =	sld [smem:$0x3FDB];
	s0 =	simm.s32 @p2 $0x1  }
0x17: {  	s4 =	simm.s32 $0x1BF5;
	[smem:$0x3FAD] =	sst s0  }
0x18: {  	s0 =	sld [smem:$0x3F90];
	_ =	swait.ge [sflag:s4], $0x0  }
0x19: {  	s7 =	sld [smem:$0x3F91]  }
0x1a: {  	s8 =	sadd.s32 $0xFFFFE003, lr  }
0x1b: {  	s9 =	sadd.s32 $0xFFFFFEF7, lr;
	s5 =	simm.s32 $0xFFFFFFFF;
	p2 =	slt.u32 s8, $0xFFFFF086  }
0x1c: {  	p1 =	slt.u32 s9, $0xF7A;
	s5 =	simm.s32 @!p2 $0x0  }
0x1d: {  	s5 =	simm.s32 @p1 $0x1;
	p0 =	seq.s32 s7, s2  }
0x1e: {  	s7 =	smul.u32 @!p0 $0xF7A, s2;
	p2 =	seq.s32 @!p0 s5, $0x0  }
0x1f: {  	s9 =	smul.u32 $0xF7A, s1;
	s8 =	simm.s32 @!p0 $0x1BF5;
	p2 =	por !p2, p0  }
0x20: {  	[sflag:s8] =	ssyncset.s32 @!p0 $0xFFFFF086;
	s6 =	sadd.s32 @!p0 s3, s7;
	s7 =	simm.s32 @!p0 $0x108  }
0x21: {  	s3 =	sadd.s32 s3, s9;
	s6 =	sadd.s32 @!p0 $0x88, s6;
	s7 =	simm.s32 @p2 $0x1082  }
0x22: {  	[simem:s7], [sflag:s8] =	dma.local @!p0 [hbm:s6], $0xF7A  }
0x23: {  	s9 =	sor.u32 $0xD0000000, s2;
	s6 =	simm.s32 $0x108;
	_ =	swait.ge @!p0 [sflag:s8], $0x0  }
0x24: {  	s3 =	sadd.s32 $0x88, s3;
	s6 =	simm.s32 @!p1 $0x1082;
	[sflag:s4] =	ssyncset.s32 $0xFFFFF086  }
0x25: {  	[simem:s6], [sflag:s4] =	dma.local [hbm:s3], $0xF7A  }
0x26: {  	[smem:$0x3F91] =	sst s1;
	(tag) =	ssettag s2;
	_ =	strace s9  }
0x27: {  	s1 =	sld [smem:$0x3FA1]  }
0x28: {  	s2 =	sld [smem:$0x3FA2]  }
0x29: {  	s4 =	sld [smem:$0x3FA4]  }
0x2a: {  	p0 =	seq.s32 s5, $0x0;
	s5 =	sld [smem:$0x3FA5]  }
0x2b: {  	s6 =	sld [smem:$0x3FA6]  }
0x2c: {  	s7 =	sld [smem:$0x3FA7]  }
0x2d: {  	s3 =	simm.s32 $0x108;
	s8 =	sld [smem:$0x3FA8]  }
0x2e: {  	s3 =	simm.s32 @!p0 $0x1082;
	s9 =	sld [smem:$0x3FA9]  }
0x2f: {  	lr =	sadd.s32 s0, s3;
	s0 =	sld [smem:$0x3FA0]  }
0x30: {  	s3 =	sld [smem:$0x3FA3]  }
0x31: {  	[smem:$0x3FAC] =	sst s10  }
0x32: {  	s10 =	sld [smem:$0x3FAA];
	_ =	sdelay $0x3  }
0x33: {  	p0 =	seq.s32 s10, $0x1;
	s10 =	sld [smem:$0x3FAC];
	_ =	sdelay $0x3  }
0x34: {  	[smem:$0x3FAC] =	sst s10  }
0x35: {  	s10 =	sld [smem:$0x3FAB];
	_ =	sdelay $0x3  }
0x36: {  	p1 =	seq.s32 s10, $0x1;
	s10 =	sld [smem:$0x3FAC];
	_ =	sdelay $0x3  }
0x37: {  	[smem:$0x3FAC] =	sst s10  }
0x38: {  	s10 =	sld [smem:$0x3FAD]  }
0x39: {  	_ = 	snop;
	(pc) =	sbr.ind lr, $3  }
0x3a: {  	_ = 	snop  }
0x3b: {  	_ = 	snop  }
0x3c: {  	p2 =	seq.s32 s10, $0x1;
	s10 =	sld [smem:$0x3FAC]  }
0x3d: {  	_ =	shalt  }
0x3e: {  	_ =	shalt  }
0x3f: {  	_ =	shalt  }
0x40: {  	_ =	shalt  }
0x41: {  	_ =	shalt  }
0x42: {  	_ =	shalt  }
0x43: {  	_ =	shalt  }
0x44: {  	_ =	shalt  }
0x45: {  	_ =	shalt  }
0x46: {  	_ =	shalt  }
0x47: {  	_ =	shalt  }
0x48: {  	_ =	shalt  }
0x49: {  	_ =	shalt  }
0x4a: {  	_ =	shalt  }
0x4b: {  	_ =	shalt  }
0x4c: {  	_ =	shalt  }
0x4d: {  	_ =	shalt  }
0x4e: {  	_ =	shalt  }
0x4f: {  	_ =	shalt  }
0x50: {  	_ =	shalt  }
0x51: {  	_ =	shalt  }
0x52: {  	_ =	shalt  }
0x53: {  	_ =	shalt  }
0x54: {  	_ =	shalt  }
0x55: {  	_ =	shalt  }
0x56: {  	_ =	shalt  }
0x57: {  	_ =	shalt  }
0x58: {  	_ =	shalt  }
0x59: {  	_ =	shalt  }
0x5a: {  	_ =	shalt  }
0x5b: {  	_ =	shalt  }
0x5c: {  	_ =	shalt  }
0x5d: {  	_ =	shalt  }
0x5e: {  	_ =	shalt  }
0x5f: {  	_ =	shalt  }
0x60: {  	_ =	shalt  }
0x61: {  	_ =	shalt  }
0x62: {  	_ =	shalt  }
0x63: {  	_ =	shalt  }
0x64: {  	_ =	shalt  }
0x65: {  	_ =	shalt  }
0x66: {  	_ =	shalt  }
0x67: {  	_ =	shalt  }
0x68: {  	_ =	shalt  }
0x69: {  	_ =	shalt  }
0x6a: {  	_ =	shalt  }
0x6b: {  	_ =	shalt  }
0x6c: {  	_ =	shalt  }
0x6d: {  	_ =	shalt  }
0x6e: {  	_ =	shalt  }
0x6f: {  	_ =	shalt  }
0x70: {  	_ =	shalt  }
0x71: {  	_ =	shalt  }
0x72: {  	_ =	shalt  }
0x73: {  	_ =	shalt  }
0x74: {  	_ =	shalt  }
0x75: {  	_ =	shalt  }
0x76: {  	_ =	shalt  }
0x77: {  	_ =	shalt  }
0x78: {  	_ =	shalt  }
0x79: {  	_ =	shalt  }
0x7a: {  	_ =	shalt  }
0x7b: {  	_ =	shalt  }
0x7c: {  	_ =	shalt  }
0x7d: {  	_ =	shalt  }
0x7e: {  	_ =	shalt  }
0x7f: {  	_ =	shalt  }
0x80: {  	_ =	shalt  }
0x81: {  	_ =	shalt  }
0x82: {  	_ =	shalt  }
0x83: {  	_ =	shalt  }
0x84: {  	_ =	shalt  }
0x85: {  	_ =	shalt  }
0x86: {  	_ =	shalt  }
0x87: {  	_ =	shalt  }
.Lfunc_end0:
.L_simem_size_0:
called_computation_lowered:
.L_overlay_start_0:
0x88: {  	s2 =	sld [smem:$0x3FD9]  }
0x89: {  	s3 =	sld [smem:$0x3FFE];
	_ =	sdelay $0x1  }
0x8a: {  	s1 =	srdreg.scid  }
0x8b: {  	s0 =	sand.u32 $0x1, s1  }
0x8c: {  	s17 =	sshll.u32 s0, $0xA;
	s2 =	sadd.s32 s3, s2  }
0x8d: {  	s2 =	sadd.s32 s2, s17  }
0x8e: {  	[smem:$0x3FB8] =	sst s2  }
0x8f: {  	_ = 	snop  }
0x90: {  	s18 =	sld [smem:$0x3FC8];
	(tm) =	ssettm $0x1  }
0x91: {  	s19 =	sld [smem:$0x3FFB];
	_ =	sdelay $0x3  }
0x92: {  	_ =	strace s19  }
0x93: {  	s2 =	sld [smem:$0x3FFC];
	_ =	sdelay $0x3  }
0x94: {  	_ =	strace s2  }
0x95: {  	s2 =	sld [smem:$0x3FFD];
	_ =	sdelay $0x3  }
0x96: {  	_ =	strace s2  }
0x97: {  	_ =	strace $0x8FFFFFFF  }
0x98: {  	s20 =	sld [smem:$0x3FDB];
	_ =	sdelay $0x1  }
0x99: {  	s4 =	simm.s32 $_scs_section_size  }
0x9a: {  	s5 =	simm.s32 $_size__tile_overlayer_lowered;
	s6 =	simm.s32 $_tile_overlayer_lowered  }
0x9b: {  	s7 =	simm.s32 $0x1BFF;
	s21 =	sshll.u32 s6, $0x1;
	s4 =	sadd.s32 s4, s20  }
0x9c: {  	s22 =	simm.s32 $0x0;
	s5 =	sshll.u32 s5, $0x1;
	s6 =	sadd.s32 s21, s4  }
0x9d: {  	[timem:s22], [sflag:s7] =	dma.local [hbm:s6], s5  }
0x9e: {  	_ =	swait.ge [sflag:s7], s5  }
0x9f: {  	s5 =	ssub.s32 $0x0, s5;
	[sflag:s7] =	ssyncset.done $0x0  }
0xa0: {  	[sflag:s7] =	ssyncadd.s32 s5;
	_ =	sdelay $0x1  }
0xa1: {  	s23 =	simm.s32 $0x1B8B  }
0xa2: {  	_ =	swait.ge [sflag:s23], $0x1  }
0xa3: {  	[sflag:s23] =	ssyncset.done $0x0  }
0xa4: {  	[sflag:s23] =	ssyncadd.s32 $0xFFFFFFFF  }
0xa5: {  	s5 =	sld [smem:$0x0]  }
0xa6: {  	s6 =	sand.u32 $0xFFFFFFFE, s1  }
0xa7: {  	p0 =	sne.s32 s1, s6  }
0xa8: {  	s6 =	sshll.u32 @p0 s6, $0xE  }
0xa9: {  	s6 =	sadd.s32 @p0 $0x11B8D, s6;
	s7 =	sshll.u32 @p0 s5, $0x11  }
0xaa: {  	s6 =	sor.u32 @p0 s7, s6  }
0xab: {  	[sflag:s6] =	ssyncadd.remote.s32 @p0 $0x1;
	_ =	sdelay $0x1  }
0xac: {  	s6 =	simm.s32 @p0 $0x1B8D  }
0xad: {  	_ =	swait.eq @p0 [sflag:s6], $0x1  }
0xae: {  	[sflag:s6] =	ssyncadd.s32 @p0 $0xFFFFFFFF  }
0xaf: {  	s7 =	sshll.u32 @!p0 s1, $0xE  }
0xb0: {  	s7 =	sor.u32 @!p0 $0x4000, s7;
	s6 =	simm.s32 @!p0 $0x1B8D  }
0xb1: {  	s5 =	sshll.u32 @!p0 s5, $0x11;
	s7 =	sadd.s32 @!p0 $0x11B8D, s7;
	_ =	swait.eq @!p0 [sflag:s6], $0x1  }
0xb2: {  	s5 =	sor.u32 @!p0 s5, s7;
	[sflag:s6] =	ssyncadd.s32 @!p0 $0xFFFFFFFF  }
0xb3: {  	s25 =	simm.s32 $0x1B8E;
	s24 =	sld [smem:$0x3FFE];
	[sflag:s5] =	ssyncadd.remote.s32 @!p0 $0x1  }
0xb4: {  	s26 =	simm.s32 $execute0_lowered;
	[smem:$0x3FD2] =	sst s25  }
0xb5: {  	s6 =	sshll.u32 s26, $0x1;
	_ =	strace $0x80000049;
	[dreg:$0x1] =	wrdreg $0xFFFFFFFF  }
0xb6: {  	s28 =	simm.s32 $_size_execute0_lowered;
	s4 =	sadd.s32 s4, s6;
	[dreg:$0x0] =	wrdreg $0x0  }
0xb7: {  	s6 =	sshll.u32 s28, $0x1;
	[dreg:$0x2] =	wrdreg s4  }
0xb8: {  	[dreg:$0x3] =	wrdreg s6  }
0xb9: {  	[dreg:$0x4] =	wrdreg $0xC0  }
0xba: {  	_ =	task [dreg:s22], $0x5FFFF  }
0xbb: {  	[dreg:$0x1] =	wrdreg $0xFFFFFFFF  }
0xbc: {  	[dreg:$0x0] =	wrdreg $0x60  }
0xbd: {  	[dreg:$0x2] =	wrdreg s24  }
0xbe: {  	[dreg:$0x3] =	wrdreg s18  }
0xbf: {  	[dreg:$0x4] =	wrdreg $0x9  }
0xc0: {  	_ =	task.clear_ibuf [dreg:s22], $0x5FFFF;
	_ =	strace $0x90000049  }
0xc1: {  	s29 =	simm.s32 $0x9;
	_ =	strace $0x8000004B  }
0xc2: {  	_ =	swait.ge [sflag:s29], $0x1  }
0xc3: {  	[sflag:s29] =	ssyncadd.s32 $0xFFFFFFFF  }
0xc4: {  	_ =	strace $0x9000004B  }
0xc5: {  	_ =	sfence  }
0xc6: {  	s30 =	sld [smem:$0x0];
	_ =	sdelay $0x2  }
0xc7: {  	s31 =	sshll.u32 s1, $0xD;
	s1 =	sshrl.u32 s1, $0x2  }
0xc8: {  	s4 =	sand.u32 $0x4000, s31;
	s1 =	sadd.s32 s1, s30  }
0xc9: {  	s0 =	sor.u32 s4, s0;
	s1 =	sshll.u32 s1, $0x11  }
0xca: {  	s0 =	sor.u32 s1, s0  }
0xcb: {  	s0 =	sadd.s32 $0x8F2B, s0  }
0xcc: {  	[sflag:s0] =	ssyncadd.remote.s32 $0x1  }
0xcd: {  	_ =	sfence.sel $0xFFFF  }
0xce: {  	[dreg:$0x0] =	wrdreg $0xFFFFFFFF;
	(pc) =	sbr.abs _section_cstart, $3  }
0xcf: {  	[dreg:$0x1] =	wrdreg $0xFFFFFFFF  }
0xd0: {  	_ =	task.clear_ibuf [dreg:s22], $0x2FFFF;
	_ =	strace $0x9FFFFFFF  }
0xd1: {  	(tm) =	ssettm $0x7FFFFFFF  }
tec
execute0_lowered:
.L_overlay_start_1:
0x0: {  	(tag) =	ssettag $0x1  }
0x1: {  	s0 =	rddreg [dreg:$0x0]  }
0x2: {  	s1 =	rddreg [dreg:$0x1]  }
0x3: {  	s2 =	srdreg.scid;
	s3 =	stileid.u32  }
0x4: {  	s6 =	simm.s32 $0x0;
	s2 =	sand.u32 $0x1, s2;
	s3 =	sshll.u32 s3, $0xA  }
0x5: {  	[smem:$0x7FF] =	sst s6;
	s7 =	sadd.s32 $0x107600, s0;
	s4 =	sshll.u32 s2, $0x9  }
0x6: {  	s2 =	ssub.s32 $0x2, s2;
	_ =	strace $0x8000004A;
	s3 =	sor.u32 s4, s3  }
0x7: {  	v0 =	vimm.s32 $0xECA86420;
	s5 =	sshrl.u32 s2, $0x1;
	s4 =	sshll.u32 s3, $0x4;
	s3 =	sshrl.u32 s3, $0x3  }
0x8: {  	vm0 =	vcmask $0xB08;
	vm1 =	vcmask $0x1310;
	vm2 =	vcmask $0x1B18;
	[dreg:$0x5] =	wrdreg s7;
	s2 =	ssub.s32 s2, s5;
	s1 =	sadd.s32 s1, s3  }
0x9: {  	vm3 =	vcmask $0x300;
	vm4 =	vcmask $0x2320;
	vm5 =	vcmask $0x2B28;
	s0 =	sadd.s32 s4, s0;
	s31 =	smax.u32 s2, $0x1;
	[dreg:$0x8] =	wrdreg s1  }
0xa: {  	v2 =	vlaneseq.u32;
	vm6 =	vcmask $0x3330;
	vm7 =	vcmask $0x3B38;
	s4 =	sadd.s32 $0x1CB600, s0;
	[dreg:$0xb] =	wrdreg s31  }
0xb: {  	vm8 =	vmmov $0xff;
	vm9 =	vcmask $0x704;
	vm10 =	vcmask $0xF0C;
	s29 =	sadd.s32 $0x1CBE00, s0;
	[dreg:$0x6] =	wrdreg s4  }
0xc: {  	vm11 =	vcmask $0x1714;
	vm12 =	vcmask $0x1F1C;
	v0 =	vunpack.c.l.s4.s8 v0;
	s30 =	sadd.s32 $0x1CC600, s0;
	[dreg:$0x7] =	wrdreg s29  }
0xd: {  	vm13 =	vcmask $0x2724;
	vm14 =	vcmask $0x2F2C;
	vm15 =	vcmask $0x3734;
	s0 =	sadd.s32 $0x1CCE00, s0;
	[dreg:$0x9] =	wrdreg s30  }
0xe: {  	v1 =	vmul.u32 $0x2, v2;
	v2 =	vmul.u32 $0x80, v2;
	v0 =	vunpack.c.0.s8.s32 v0;
	s2 =	simm.s32 $0x0;
	[dreg:$0xa] =	wrdreg s0  }
.LBB2_1:
0xf: {  	[dreg:$0xc] =	wrdreg s2  }
0x10: {  	s0 =	rddreg [dreg:$0x8];
	s19 =	simm.s32 $0x9  }
0x11: {  	[tilespmem:s6], [sflag:$0x9] =	stream.linear.gather [hbm4b:s0+s6], $0x200, $0x38;
	[tilespmem:$0x10400] =	vst v63  }
0x12: {  	_ =	swait.ge [sflag:s19], $0x200  }
0x13: {  	[sflag:s19] =	ssyncset.done $0x0  }
0x14: {  	s17 =	simm.s32 $0x0;
	[sflag:s19] =	ssyncadd.s32 $0xFFFFFE00  }
0x15: {  	v3 =	vld [tilespmem:s17+$0x0];
	_ =	sdelay $0x4  }
0x16: {  	(v2sf) =	vpush v3, $0x7;
	_ =	sdelay $0x1  }
0x17: {  	(v2sf) =	vpush v3, $0x0  }
0x18: {  	(v2sf) =	vpush v3, $0x1;
	_ =	sdelay $0x1  }
0x19: {  	(v2sf) =	vpush v3, $0x2;
	_ =	sdelay $0x1  }
0x1a: {  	(v2sf) =	vpush v3, $0x3  }
0x1b: {  	(v2sf) =	vpush v3, $0x4;
	_ =	sdelay $0x1  }
0x1c: {  	(v2sf) =	vpush v3, $0xC  }
0x1d: {  	(v2sf) =	vpush v3, $0xD;
	_ =	sdelay $0x2  }
0x1e: {  	(v2sf) =	vpush v3, $0xE  }
0x1f: {  	s20 =	spop (v2sf)  }
0x20: {  	(v2sf) =	vpush v3, $0x8;
	s1 =	smulhi.u32 $0x5397829D, s20;
	s0 =	sshra.s32 s20, $0x1F  }
0x21: {  	(v2sf) =	vpush v3, $0xF;
	s21 =	spop (v2sf);
	s0 =	smul.u32 $0x5397829D, s0  }
0x22: {  	s3 =	spop (v2sf);
	s23 =	smulhi.u32 $0x5397829D, s21  }
0x23: {  	s11 =	sshra.s32 s21, $0x1F;
	s4 =	smulhi.u32 $0x5397829D, s3  }
0x24: {  	s5 =	spop (v2sf);
	s11 =	smul.u32 $0x5397829D, s11  }
0x25: {  	s29 =	simm.s32 $0x40;
	(v2sf) =	vpush v3, $0x9;
	s3 =	sshra.s32 s3, $0x1F;
	s22 =	smulhi.u32 $0x5397829D, s5  }
0x26: {  	s5 =	sshra.s32 s5, $0x1F;
	s3 =	smul.u32 $0x5397829D, s3;
	s7 =	spop (v2sf)  }
0x27: {  	(v2sf) =	vpush v3, $0xA;
	s28 =	sadd.s32 s0, s1;
	s5 =	smul.u32 $0x5397829D, s5;
	s8 =	spop (v2sf)  }
0x28: {  	s12 =	smulhi.u32 $0x5397829D, s7;
	s30 =	sshra.s32 s7, $0x1F;
	s10 =	sshra.s32 s8, $0x1F  }
0x29: {  	s24 =	spop (v2sf);
	s3 =	sadd.s32 s3, s4;
	s20 =	smul.u32 $0x5397829D, s30  }
0x2a: {  	s15 =	smul.u32 $0x5397829D, s10;
	s25 =	spop (v2sf);
	s26 =	sshra.s32 s24, $0x1F  }
0x2b: {  	s16 =	sshra.s32 s3, $0xE;
	s14 =	sshra.s32 s3, $0x1F;
	s10 =	smulhi.u32 $0x5397829D, s24  }
0x2c: {  	(v2sf) =	vpush v3, $0x5;
	s31 =	sadd.s32 s5, s22;
	s5 =	sshrl.u32 s3, $0x1F;
	s0 =	smulhi.u32 $0x5397829D, s25  }
0x2d: {  	(v2sf) =	vpush v3, $0xB;
	s18 =	smul.u32 $0x5397829D, s26;
	s19 =	spop (v2sf);
	s2 =	sshra.s32 s25, $0x1F  }
0x2e: {  	s6 =	sshra.s32 s31, $0xE;
	s4 =	sshra.s32 s31, $0x1F;
	s1 =	smulhi.u32 $0x5397829D, s19  }
0x2f: {  	s21 =	spop (v2sf);
	s13 =	smul.u32 $0x5397829D, s2;
	s2 =	sshrl.u32 s31, $0x1F  }
0x30: {  	s30 =	sshra.s32 s19, $0x1F;
	s22 =	spop (v2sf);
	s10 =	sadd.s32 s18, s10  }
0x31: {  	s24 =	smulhi.u32 $0x5397829D, s22;
	s26 =	sshra.s32 s22, $0x1F;
	s3 =	sadd.s32 s13, s0  }
0x32: {  	s13 =	sshra.s32 s21, $0x1F;
	s18 =	smul.u32 $0x5397829D, s26;
	s26 =	sadd.s32 s20, s12  }
0x33: {  	s12 =	sadd.s32 s11, s23;
	s20 =	smulhi.u32 $0x5397829D, s8;
	s23 =	sshra.s32 s10, $0xE  }
0x34: {  	s11 =	smul.u32 $0x5397829D, s30;
	s8 =	sshrl.u32 s28, $0x1F;
	s25 =	spop (v2sf)  }
0x35: {  	s30 =	sshra.s32 s12, $0xE;
	s9 =	smulhi.u32 $0x5397829D, s25;
	s25 =	sshra.s32 s25, $0x1F  }
0x36: {  	s0 =	sadd.s32 s18, s24;
	s31 =	spop (v2sf);
	s22 =	smul.u32 $0x5397829D, s25  }
0x37: {  	s18 =	sshra.s32 s26, $0xE;
	s24 =	sshrl.u32 s3, $0x1F;
	s19 =	smulhi.u32 $0x5397829D, s31  }
0x38: {  	s7 =	sshra.s32 s31, $0x1F;
	s31 =	sshra.s32 s3, $0xE;
	s3 =	smul.u32 $0x5397829D, s13  }
0x39: {  	s25 =	sshrl.u32 s10, $0x1F;
	s10 =	sshra.s32 s26, $0x1F;
	s7 =	smul.u32 $0x5397829D, s7  }
0x3a: {  	s9 =	sadd.s32 s22, s9;
	s22 =	smulhi.u32 $0x5397829D, s21;
	s21 =	sshra.s32 s28, $0x1F  }
0x3b: {  	v5 =	vmov s23;
	s7 =	sadd.s32 s7, s19;
	s19 =	sshrl.u32 s26, $0x1F;
	s26 =	spop (v2sf);
	v4 =	vmov s21  }
0x3c: {  	v6 =	vmov s25;
	v5 =	vsel vm0, s31, v5;
	s31 =	sshra.s32 s12, $0x1F;
	s21 =	smulhi.u32 $0x5397829D, s26;
	v7 =	vsel vm3, s30, v4;
	s23 =	spop (v2sf)  }
0x3d: {  	(v2sf) =	vpush v3, $0x6;
	s12 =	sshrl.u32 s12, $0x1F;
	v4 =	vsel vm0, s24, v6;
	s26 =	sshra.s32 s26, $0x1F;
	v6 =	vsel vm9, s31, v7;
	s25 =	smulhi.u32 $0x5397829D, s23  }
.LBB2_2:
0x3e: {  	_ =	sdelay $0x8  }
0x3f: {  	s24 =	sshrl.u32 s9, $0x1F  }
0x40: {  	s13 =	sshra.s32 s23, $0x1F;
	s26 =	smul.u32 $0x5397829D, s26;
	v7 =	vmov s12;
	v6 =	vsel vm0, s16, v6;
	s30 =	sadd.s32 s15, s20  }
0x41: {  	s13 =	smul.u32 $0x5397829D, s13;
	v7 =	vnsel vm3, $0x0, v7;
	v6 =	vsel vm10, s14, v6;
	s3 =	sadd.s32 s3, s22;
	s15 =	sshrl.u32 s30, $0x1F  }
0x42: {  	v7 =	vsel vm0, s5, v7;
	v6 =	vsel vm1, s6, v6;
	s6 =	sadd.s32 s11, s1;
	s20 =	sshra.s32 s30, $0xE;
	s14 =	sshra.s32 s3, $0xE  }
0x43: {  	s3 =	sshrl.u32 s3, $0x1F;
	s13 =	sadd.s32 s13, s25;
	v7 =	vsel vm1, s2, v7;
	v6 =	vsel vm11, s4, v6;
	s22 =	sshra.s32 s6, $0xE  }
0x44: {  	s25 =	sshra.s32 s30, $0x1F;
	s30 =	sshra.s32 s9, $0xE;
	v8 =	vmov s14;
	v9 =	vmov s3;
	v7 =	vsel vm2, s19, v7;
	s16 =	spop (v2sf)  }
0x45: {  	s6 =	sshrl.u32 s6, $0x1F;
	v6 =	vsel vm2, s18, v6;
	v5 =	vsel vm1, s22, v5;
	v8 =	vsel vm0, s30, v8;
	s31 =	smulhi.u32 $0x5397829D, s16;
	s12 =	sshra.s32 s16, $0x1F  }
0x46: {  	s2 =	sadd.s32 s26, s21;
	v4 =	vsel vm1, s6, v4;
	s22 =	sshrl.u32 s0, $0x1F;
	v9 =	vsel vm0, s24, v9;
	v6 =	vsel vm12, s10, v6;
	s12 =	smul.u32 $0x5397829D, s12  }
0x47: {  	s23 =	sshrl.u32 s7, $0x1F;
	s21 =	sshrl.u32 s2, $0x1F;
	v7 =	vsel vm4, s15, v7;
	s15 =	sshra.s32 s7, $0xE;
	v4 =	vsel vm2, s22, v4;
	v6 =	vsel vm4, s20, v6  }
0x48: {  	v9 =	vsel vm1, s23, v9;
	v8 =	vsel vm1, s15, v8;
	v6 =	vsel vm13, s25, v6;
	s16 =	sshra.s32 s13, $0xE;
	s19 =	sadd.s32 s12, s31;
	s31 =	sshra.s32 s2, $0xE  }
0x49: {  	v7 =	vsel vm5, s21, v7;
	v8 =	vsel vm2, s16, v8;
	s12 =	sshra.s32 s0, $0xE;
	s2 =	sshra.s32 s2, $0x1F;
	s26 =	sshrl.u32 s19, $0x1F;
	v6 =	vsel vm5, s31, v6  }
0x4a: {  	s1 =	sshrl.u32 s13, $0x1F;
	v5 =	vsel vm2, s12, v5;
	s18 =	sshra.s32 s19, $0xE;
	v7 =	vsel vm6, s26, v7;
	v6 =	vsel vm14, s2, v6  }
0x4b: {  	s19 =	sshra.s32 s19, $0x1F;
	v5 =	vcombine.low v8, v5;
	v8 =	vsel vm2, s1, v9;
	v6 =	vsel vm6, s18, v6  }
0x4c: {  	s21 =	sshra.s32 s28, $0xE;
	v7 =	vsel vm7, s8, v7;
	v4 =	vcombine.low v8, v4;
	v6 =	vsel vm15, s19, v6  }
0x4d: {  	v7 =	vperm.xlane v7, v1;
	v5 =	vperm.xlane v5, v0;
	v6 =	vsel vm7, s21, v6  }
0x4e: {  	v4 =	vperm.xlane v4, v0;
	v6 =	vperm.xlane v6, v1;
	_ =	sdelay $0x1  }
0x4f: {  	v4 =	vsel vm8, v7, v4;
	v5 =	vsel vm8, v6, v5  }
0x50: {  	v4 =	vadd.s32 v4, v5  }
0x51: {  	[tilespmem:s17+$0x200] =	vst v4;
	v4 =	vmul.u32 $0xFFFF3C00, v4;
	_ =	sdelay $0x1  }
0x52: {  	s20 =	smov.u32 s29;
	v3 =	vadd.s32 v3, v4  }
0x53: {  	s24 =	sshra.s32 s20, $0x2;
	[tilespmem:s17+$0x0] =	vst v3  }
0x54: {  	v3 =	vld [tilespmem:s24+$0x0];
	_ =	sdelay $0x4  }
0x55: {  	(v2sf) =	vpush v3, $0x7  }
0x56: {  	(v2sf) =	vpush v3, $0x0  }
0x57: {  	(v2sf) =	vpush v3, $0x1  }
0x58: {  	(v2sf) =	vpush v3, $0x2;
	_ =	sdelay $0x2  }
0x59: {  	(v2sf) =	vpush v3, $0x3;
	_ =	sdelay $0x1  }
0x5a: {  	(v2sf) =	vpush v3, $0x4;
	_ =	sdelay $0x1  }
0x5b: {  	(v2sf) =	vpush v3, $0xC  }
0x5c: {  	(v2sf) =	vpush v3, $0xD;
	_ =	sdelay $0x2  }
0x5d: {  	(v2sf) =	vpush v3, $0xE  }
0x5e: {  	s25 =	spop (v2sf)  }
0x5f: {  	s26 =	smulhi.u32 $0x5397829D, s25;
	s30 =	sshra.s32 s25, $0x1F;
	s31 =	spop (v2sf)  }
0x60: {  	(v2sf) =	vpush v3, $0x8;
	s2 =	smul.u32 $0x5397829D, s30;
	s6 =	spop (v2sf)  }
0x61: {  	(v2sf) =	vpush v3, $0xF;
	s7 =	smulhi.u32 $0x5397829D, s6;
	s8 =	spop (v2sf)  }
0x62: {  	s4 =	sshra.s32 s6, $0x1F;
	s9 =	smulhi.u32 $0x5397829D, s8  }
0x63: {  	[dreg:$0x3] =	wrdreg s24;
	s6 =	sshra.s32 s8, $0x1F;
	s11 =	smul.u32 $0x5397829D, s4  }
0x64: {  	s12 =	spop (v2sf);
	s6 =	smul.u32 $0x5397829D, s6  }
0x65: {  	s22 =	sshra.s32 s31, $0x1F;
	s15 =	sadd.s32 s11, s7;
	s11 =	smulhi.u32 $0x5397829D, s12  }
0x66: {  	(v2sf) =	vpush v3, $0x9;
	s13 =	sshra.s32 s12, $0x1F;
	s10 =	spop (v2sf);
	s7 =	smulhi.u32 $0x5397829D, s31  }
0x67: {  	s28 =	sadd.s32 s2, s26;
	s16 =	sshra.s32 s10, $0x1F;
	s26 =	smul.u32 $0x5397829D, s13  }
0x68: {  	s2 =	sshra.s32 s28, $0x1F;
	s18 =	spop (v2sf);
	s17 =	smul.u32 $0x5397829D, s16  }
0x69: {  	(v2sf) =	vpush v3, $0xA;
	s16 =	sshra.s32 s15, $0xE;
	s19 =	spop (v2sf);
	s25 =	smulhi.u32 $0x5397829D, s18  }
0x6a: {  	s14 =	sshra.s32 s15, $0x1F;
	s20 =	sshra.s32 s18, $0x1F;
	s3 =	smulhi.u32 $0x5397829D, s19  }
0x6b: {  	s8 =	sadd.s32 s6, s9;
	s5 =	sshrl.u32 s15, $0x1F;
	s23 =	smul.u32 $0x5397829D, s20  }
0x6c: {  	v6 =	vmov s2;
	s24 =	spop (v2sf);
	s6 =	sshra.s32 s8, $0xE;
	s2 =	sshrl.u32 s8, $0x1F  }
0x6d: {  	(v2sf) =	vpush v3, $0x5;
	s4 =	sshra.s32 s8, $0x1F;
	s8 =	sadd.s32 s26, s11;
	s26 =	smul.u32 $0x5397829D, s22  }
0x6e: {  	s21 =	sshra.s32 s19, $0x1F;
	[dreg:$0x4] =	wrdreg s17;
	s1 =	smulhi.u32 $0x5397829D, s24  }
0x6f: {  	(v2sf) =	vpush v3, $0xB;
	s24 =	sshra.s32 s24, $0x1F;
	s9 =	spop (v2sf);
	s12 =	smul.u32 $0x5397829D, s21  }
0x70: {  	s15 =	sshra.s32 s9, $0x1F;
	s31 =	spop (v2sf);
	s22 =	smulhi.u32 $0x5397829D, s9  }
0x71: {  	s13 =	sadd.s32 s23, s25;
	s9 =	sadd.s32 s26, s7;
	s11 =	smul.u32 $0x5397829D, s24  }
0x72: {  	s17 =	smulhi.u32 $0x5397829D, s31;
	s21 =	sshrl.u32 s13, $0x1F;
	s3 =	sadd.s32 s12, s3  }
0x73: {  	s18 =	sshra.s32 s31, $0x1F;
	v4 =	vmov s21;
	s12 =	sshra.s32 s3, $0xE;
	s3 =	sshrl.u32 s3, $0x1F  }
0x74: {  	s25 =	sshra.s32 s13, $0xE;
	s13 =	smul.u32 $0x5397829D, s18;
	v4 =	vsel vm0, s3, v4;
	s3 =	sshra.s32 s9, $0xE  }
0x75: {  	v6 =	vsel vm3, s3, v6;
	s3 =	smul.u32 $0x5397829D, s15;
	s0 =	spop (v2sf)  }
0x76: {  	s31 =	smulhi.u32 $0x5397829D, s0;
	s20 =	sshra.s32 s0, $0x1F  }
0x77: {  	s30 =	smul.u32 $0x5397829D, s20  }
0x78: {  	p0 =	sne.s32 s29, $0x7C0;
	s23 =	spop (v2sf);
	s20 =	smulhi.u32 $0x5397829D, s10  }
0x79: {  	s29 =	sadd.s32 $0x40, s29;
	v5 =	vmov s25;
	s0 =	smulhi.u32 $0x5397829D, s23;
	s23 =	sshra.s32 s23, $0x1F  }
0x7a: {  	s19 =	sshrl.u32 s8, $0x1F;
	s24 =	sshra.s32 s9, $0x1F;
	v5 =	vsel vm0, s12, v5;
	s12 =	smul.u32 $0x5397829D, s23  }
.Ltmp0:
0x7b: {  	s18 =	sshra.s32 s8, $0xE;
	s15 =	rddreg [dreg:$0x4];
	(pc) =	sbr.rel @p0 .LBB2_2-.Ltmp0, $4  }
0x7c: {  	s10 =	sshra.s32 s8, $0x1F;
	s8 =	sshrl.u32 s28, $0x1F;
	s25 =	spop (v2sf)  }
0x7d: {  	s21 =	smulhi.u32 $0x5397829D, s25;
	s26 =	sshra.s32 s25, $0x1F;
	s7 =	sadd.s32 s12, s0  }
0x7e: {  	s12 =	sshrl.u32 s9, $0x1F;
	s0 =	sadd.s32 s13, s17;
	s23 =	spop (v2sf)  }
0x7f: {  	(v2sf) =	vpush v3, $0x6;
	v6 =	vsel vm9, s24, v6;
	s17 =	rddreg [dreg:$0x3];
	s9 =	sadd.s32 s30, s31;
	s25 =	smulhi.u32 $0x5397829D, s23  }
0x80: {  	_ =	sdelay $0x9  }
0x81: {  	s30 =	smul.u32 $0x5397829D, s26;
	s15 =	sadd.s32 s15, s20  }
0x82: {  	v6 =	vsel vm0, s16, v6;
	s1 =	sadd.s32 s11, s1;
	s3 =	sadd.s32 s3, s22;
	s20 =	sshra.s32 s23, $0x1F  }
0x83: {  	v7 =	vmov s12;
	s12 =	sshra.s32 s9, $0xE;
	v6 =	vsel vm10, s14, v6;
	s22 =	sshra.s32 s15, $0xE;
	s24 =	sshra.s32 s1, $0xE  }
0x84: {  	v7 =	vnsel vm3, $0x0, v7;
	s26 =	sshra.s32 s15, $0x1F;
	s11 =	sshra.s32 s3, $0xE;
	s3 =	sshrl.u32 s3, $0x1F;
	v6 =	vsel vm1, s6, v6  }
0x85: {  	s1 =	sshrl.u32 s1, $0x1F;
	v7 =	vsel vm0, s5, v7;
	v5 =	vsel vm1, s24, v5;
	v6 =	vsel vm11, s4, v6;
	s4 =	smul.u32 $0x5397829D, s20;
	s13 =	spop (v2sf)  }
0x86: {  	s16 =	sadd.s32 s30, s21;
	v8 =	vmov s11;
	v9 =	vmov s3;
	v6 =	vsel vm2, s18, v6;
	s31 =	smulhi.u32 $0x5397829D, s13;
	s13 =	sshra.s32 s13, $0x1F  }
0x87: {  	s21 =	sshrl.u32 s15, $0x1F;
	s30 =	sshra.s32 s0, $0xE;
	v4 =	vsel vm1, s1, v4;
	v7 =	vsel vm1, s2, v7;
	v6 =	vsel vm12, s10, v6;
	s13 =	smul.u32 $0x5397829D, s13  }
0x88: {  	s23 =	sshrl.u32 s16, $0x1F;
	v5 =	vsel vm2, s30, v5;
	s2 =	sshra.s32 s16, $0x1F;
	v7 =	vsel vm2, s19, v7;
	s4 =	sadd.s32 s4, s25;
	v6 =	vsel vm4, s22, v6  }
0x89: {  	v8 =	vsel vm0, s12, v8;
	v7 =	vsel vm4, s21, v7;
	s21 =	sshrl.u32 s0, $0x1F;
	v6 =	vsel vm13, s26, v6;
	s5 =	sadd.s32 s13, s31;
	s31 =	sshra.s32 s16, $0xE  }
0x8a: {  	v7 =	vsel vm5, s23, v7;
	v4 =	vsel vm2, s21, v4;
	s13 =	sshrl.u32 s9, $0x1F;
	s16 =	sshra.s32 s7, $0xE;
	s29 =	sshrl.u32 s5, $0x1F;
	v6 =	vsel vm5, s31, v6  }
0x8b: {  	s15 =	sshrl.u32 s7, $0x1F;
	s20 =	sshra.s32 s4, $0xE;
	v9 =	vsel vm0, s13, v9;
	v8 =	vsel vm1, s16, v8;
	v7 =	vsel vm6, s29, v7  }
0x8c: {  	s19 =	sshrl.u32 s4, $0x1F;
	s14 =	sshra.s32 s5, $0xE;
	v6 =	vsel vm14, s2, v6;
	v9 =	vsel vm1, s15, v9;
	v8 =	vsel vm2, s20, v8  }
0x8d: {  	s18 =	sshra.s32 s5, $0x1F;
	v6 =	vsel vm6, s14, v6;
	v9 =	vsel vm2, s19, v9;
	v5 =	vcombine.low v8, v5  }
0x8e: {  	s22 =	sshra.s32 s28, $0xE;
	v7 =	vsel vm7, s8, v7;
	v6 =	vsel vm15, s18, v6;
	v4 =	vcombine.low v9, v4  }
0x8f: {  	v7 =	vperm.xlane v7, v1;
	v6 =	vsel vm7, s22, v6;
	v5 =	vperm.xlane v5, v0  }
0x90: {  	v6 =	vperm.xlane v6, v1;
	v4 =	vperm.xlane v4, v0;
	_ =	sdelay $0x1  }
0x91: {  	v5 =	vsel vm8, v6, v5;
	v4 =	vsel vm8, v7, v4  }
0x92: {  	v4 =	vadd.s32 v4, v5  }
0x93: {  	v5 =	vmul.u32 $0xFFFF3C00, v4;
	_ =	sdelay $0x1  }
0x94: {  	s24 =	rddreg [dreg:$0x5];
	[tilespmem:s17+$0x200] =	vst v4;
	v3 =	vadd.s32 v3, v5  }
0x95: {  	s3 =	simm.s32 $0x400;
	s25 =	simm.s32 $0x80;
	s23 =	simm.s32 $0x0;
	[tilespmem:s17+$0x0] =	vst v3  }
0x96: {  	[tilespmem:s3], [sflag:$0x1] =	stream.indirect.gather [hbm4b:s24+s25], $0x80, s23, s25, $0xb8;
	[tilespmem:$0x10400] =	vst v63  }
0x97: {  	s4 =	simm.s32 $0x4400  }
0x98: {  	[tilespmem:s4], [sflag:$0x2] =	stream.indirect.gather [hbm4b:s24+s25], $0x80, s25, s25, $0xb8;
	[tilespmem:$0x10400] =	vst v63  }
0x99: {  	s28 =	simm.s32 $0x8400;
	s26 =	simm.s32 $0x100  }
0x9a: {  	[tilespmem:s28], [sflag:$0x3] =	stream.indirect.gather [hbm4b:s24+s25], $0x80, s26, s25, $0xb8;
	[tilespmem:$0x10400] =	vst v63  }
0x9b: {  	s30 =	simm.s32 $0xC400;
	s31 =	simm.s32 $0x1;
	s29 =	simm.s32 $0x180  }
0x9c: {  	[tilespmem:s30], [sflag:$0x4] =	stream.indirect.gather [hbm4b:s24+s25], $0x80, s29, s25, $0xb8;
	[tilespmem:$0x10400] =	vst v63  }
0x9d: {  	_ =	swait.ge [sflag:s31], $0x4000  }
0x9e: {  	s1 =	simm.s32 $0x10;
	s0 =	simm.s32 $0x200;
	[sflag:s31] =	ssyncset.done $0x0  }
0x9f: {  	s5 =	simm.s32 $0x8400;
	s2 =	simm.s32 $0xC400;
	v3 =	vmov s23;
	[sflag:s31] =	ssyncadd.s32 $0xFFFFC000  }
.LBB2_4:
0xa0: {  	p0 =	sne.s32 s1, $0x70;
	v3 =	vshll.u32 v3, $0x7;
	v4 =	vld [tilespmem:s0+$0x0]  }
0xa1: {  	v3 =	vor.u32 v2, v3  }
0xa2: {  	v5 =	vor.u32 $0x78, v3  }
.Ltmp1:
0xa3: {  	(pc) =	sbr.rel @p0 .LBB2_4-.Ltmp1, $3  }
0xa4: {  	_ = 	snop  }
0xa5: {  	v4 =	vcvt.s32.f32 v4;
	_ =	sdelay $0x1  }
0xa6: {  	s0 =	sadd.s32 $0x10, s0;
	v3 =	vmov s1;
	s1 =	sadd.s32 $0x10, s1;
	[tilespmem:v5+s3+$0x0] =	vst.idx.msk $0xffff, v4  }
0xa7: {  	v3 =	vshll.u32 v3, $0x7;
	v4 =	vld [tilespmem:s0+$0x0]  }
0xa8: {  	v3 =	vor.u32 v2, v3  }
0xa9: {  	v3 =	vor.u32 $0x78, v3;
	_ =	sdelay $0x2  }
0xaa: {  	v4 =	vcvt.s32.f32 v4;
	_ =	sdelay $0x1  }
0xab: {  	s1 =	simm.s32 $0x0;
	s30 =	rddreg [dreg:$0x6];
	s31 =	simm.s32 $0x2;
	[tilespmem:v3+s3+$0x0] =	vst.idx.msk $0xffff, v4  }
0xac: {  	[hbm4b:s30+s1] =	stream.linear.scatter [tilespmem:s3], [sflag:$0x5], $0x4000, $0x38;
	[tilespmem:$0x10400] =	vst v63  }
0xad: {  	_ =	swait.ge [sflag:s31], $0x4000  }
0xae: {  	s0 =	simm.s32 $0x280;
	[sflag:s31] =	ssyncset.done $0x0  }
0xaf: {  	s6 =	simm.s32 $0x0;
	v3 =	vmov s1;
	s1 =	simm.s32 $0x10;
	[sflag:s31] =	ssyncadd.s32 $0xFFFFC000  }
.LBB2_6:
0xb0: {  	p0 =	sne.s32 s1, $0x70;
	v3 =	vshll.u32 v3, $0x7;
	v4 =	vld [tilespmem:s0+$0x0]  }
0xb1: {  	v3 =	vor.u32 v2, v3  }
0xb2: {  	v5 =	vor.u32 $0x78, v3  }
.Ltmp2:
0xb3: {  	(pc) =	sbr.rel @p0 .LBB2_6-.Ltmp2, $3  }
0xb4: {  	_ = 	snop  }
0xb5: {  	v4 =	vcvt.s32.f32 v4;
	_ =	sdelay $0x1  }
0xb6: {  	s0 =	sadd.s32 $0x10, s0;
	v3 =	vmov s1;
	s1 =	sadd.s32 $0x10, s1;
	[tilespmem:v5+s4+$0x0] =	vst.idx.msk $0xffff, v4  }
0xb7: {  	v3 =	vshll.u32 v3, $0x7;
	v4 =	vld [tilespmem:s0+$0x0]  }
0xb8: {  	v3 =	vor.u32 v2, v3  }
0xb9: {  	v3 =	vor.u32 $0x78, v3;
	_ =	sdelay $0x2  }
0xba: {  	v4 =	vcvt.s32.f32 v4;
	_ =	sdelay $0x1  }
0xbb: {  	s1 =	simm.s32 $0x0;
	s30 =	rddreg [dreg:$0x7];
	s31 =	simm.s32 $0x3;
	[tilespmem:v3+s4+$0x0] =	vst.idx.msk $0xffff, v4  }
0xbc: {  	[hbm4b:s30+s1] =	stream.linear.scatter [tilespmem:s4], [sflag:$0x6], $0x4000, $0x38;
	[tilespmem:$0x10400] =	vst v63  }
0xbd: {  	_ =	swait.ge [sflag:s31], $0x4000  }
0xbe: {  	[sflag:s31] =	ssyncset.done $0x0  }
0xbf: {  	s0 =	simm.s32 $0x300;
	v3 =	vmov s1;
	s1 =	simm.s32 $0x10;
	[sflag:s31] =	ssyncadd.s32 $0xFFFFC000  }
.LBB2_8:
0xc0: {  	p0 =	sne.s32 s1, $0x70;
	v3 =	vshll.u32 v3, $0x7;
	v4 =	vld [tilespmem:s0+$0x0]  }
0xc1: {  	v3 =	vor.u32 v2, v3  }
0xc2: {  	v5 =	vor.u32 $0x78, v3  }
.Ltmp3:
0xc3: {  	(pc) =	sbr.rel @p0 .LBB2_8-.Ltmp3, $3  }
0xc4: {  	_ = 	snop  }
0xc5: {  	v4 =	vcvt.s32.f32 v4;
	_ =	sdelay $0x1  }
0xc6: {  	s0 =	sadd.s32 $0x10, s0;
	v3 =	vmov s1;
	s1 =	sadd.s32 $0x10, s1;
	[tilespmem:v5+s5+$0x0] =	vst.idx.msk $0xffff, v4  }
0xc7: {  	v3 =	vshll.u32 v3, $0x7;
	v4 =	vld [tilespmem:s0+$0x0]  }
0xc8: {  	v3 =	vor.u32 v2, v3  }
0xc9: {  	v3 =	vor.u32 $0x78, v3;
	_ =	sdelay $0x2  }
0xca: {  	v4 =	vcvt.s32.f32 v4;
	_ =	sdelay $0x1  }
0xcb: {  	s1 =	simm.s32 $0x0;
	s30 =	rddreg [dreg:$0x9];
	s31 =	simm.s32 $0x4;
	[tilespmem:v3+s5+$0x0] =	vst.idx.msk $0xffff, v4  }
0xcc: {  	[hbm4b:s30+s1] =	stream.linear.scatter [tilespmem:s5], [sflag:$0x7], $0x4000, $0x38;
	[tilespmem:$0x10400] =	vst v63  }
0xcd: {  	_ =	swait.ge [sflag:s31], $0x4000  }
0xce: {  	[sflag:s31] =	ssyncset.done $0x0  }
0xcf: {  	s0 =	simm.s32 $0x380;
	v3 =	vmov s1;
	s1 =	simm.s32 $0x10;
	[sflag:s31] =	ssyncadd.s32 $0xFFFFC000  }
.LBB2_10:
0xd0: {  	p0 =	sne.s32 s1, $0x70;
	v3 =	vshll.u32 v3, $0x7;
	v4 =	vld [tilespmem:s0+$0x0]  }
0xd1: {  	v3 =	vor.u32 v2, v3  }
0xd2: {  	v5 =	vor.u32 $0x78, v3  }
.Ltmp4:
0xd3: {  	(pc) =	sbr.rel @p0 .LBB2_10-.Ltmp4, $3  }
0xd4: {  	_ = 	snop  }
0xd5: {  	v4 =	vcvt.s32.f32 v4;
	_ =	sdelay $0x1  }
0xd6: {  	s0 =	sadd.s32 $0x10, s0;
	v3 =	vmov s1;
	s1 =	sadd.s32 $0x10, s1;
	[tilespmem:v5+s2+$0x0] =	vst.idx.msk $0xffff, v4  }
0xd7: {  	v3 =	vshll.u32 v3, $0x7;
	v4 =	vld [tilespmem:s0+$0x0]  }
0xd8: {  	v3 =	vor.u32 v2, v3  }
0xd9: {  	v3 =	vor.u32 $0x78, v3;
	_ =	sdelay $0x2  }
0xda: {  	v4 =	vcvt.s32.f32 v4;
	_ =	sdelay $0x1  }
0xdb: {  	s25 =	rddreg [dreg:$0xa];
	s26 =	simm.s32 $0x5;
	[tilespmem:v3+s2+$0x0] =	vst.idx.msk $0xffff, v4  }
0xdc: {  	[hbm4b:s25+s6] =	stream.linear.scatter [tilespmem:s2], [sflag:$0x8], $0x4000, $0x38;
	[tilespmem:$0x10400] =	vst v63  }
0xdd: {  	_ =	swait.ge [sflag:s26], $0x4000  }
0xde: {  	[sflag:s26] =	ssyncset.done $0x0  }
0xdf: {  	s28 =	simm.s32 $0x6;
	[sflag:s26] =	ssyncadd.s32 $0xFFFFC000  }
0xe0: {  	_ =	swait.ge [sflag:s28], $0x4000  }
0xe1: {  	[sflag:s28] =	ssyncset.done $0x0  }
0xe2: {  	s29 =	simm.s32 $0x7;
	[sflag:s28] =	ssyncadd.s32 $0xFFFFC000  }
0xe3: {  	_ =	swait.ge [sflag:s29], $0x4000  }
0xe4: {  	[sflag:s29] =	ssyncset.done $0x0  }
0xe5: {  	s1 =	simm.s32 $0x8;
	[sflag:s29] =	ssyncadd.s32 $0xFFFFC000  }
0xe6: {  	_ =	swait.ge [sflag:s1], $0x4000  }
0xe7: {  	s30 =	rddreg [dreg:$0xc]  }
0xe8: {  	s31 =	rddreg [dreg:$0xb];
	s2 =	sadd.s32 $0x1, s30  }
0xe9: {  	p0 =	sne.s32 s2, s31  }
.Ltmp5:
0xea: {  	_ = 	snop;
	(pc) =	sbr.rel @p0 .LBB2_1-.Ltmp5, $3  }
0xeb: {  	_ =	sdelay $0x1  }
0xec: {  	[sflag:s1] =	ssyncset.done $0x0  }
0xed: {  	[sflag:s1] =	ssyncadd.s32 $0xFFFFC000  }
0xee: {  	_ =	sfence.sel $0x180000  }
0xef: {  	[bflag:$0x0] =	sbarrier.arrive $0xFFFF  }
0xf0: {  	_ =	strace $0x9000004A  }
0xf1: {  	s0 =	stileid.u32;
	[bflag:$0x2] =	sbarrier.arrive $0xFFFF  }
0xf2: {  	p0 =	sne.s32 s0, $0x0;
	s0 =	rddreg [dreg:$0x2]  }
0xf3: {  	s0 =	sadd.s32 @!p0 $0x100000, s0  }
0xf4: {  	[sflag:s0] =	ssyncadd.tile.s32 @!p0 $0x1;
	_ =	shalt  }
.Lfunc_end2:
_tile_overlayer_lowered:
.L_overlay_start_2:
0xf5: {  	(tag) =	ssettag $0x2  }
0xf6: {  	s0 =	rddreg [dreg:$0x0];
	s2 =	stileid.u32  }
0xf7: {  	s1 =	rddreg [dreg:$0x1];
	p0 =	sne.s32 s2, $0x0  }
0xf8: {  	s3 =	rddreg [dreg:$0x2];
	[bflag:$0x3] =	sbarrier.arrive $0xFFFF;
	s2 =	simm.s32 @!p0 $0x1C09  }
0xf9: {  	[timem:s3], [sflag:s2] =	dma.local @!p0 [hbm:s0], s1  }
0xfa: {  	s0 =	simm.s32 @!p0 $0x9  }
0xfb: {  	_ =	swait.ge @!p0 [sflag:s0], s1  }
0xfc: {  	s1 =	ssub.s32 @!p0 $0x0, s1;
	[sflag:s0] =	ssyncset.done @!p0 $0x0  }
0xfd: {  	[sflag:s0] =	ssyncadd.s32 @!p0 s1  }
0xfe: {  	[bflag:$0x3] =	sbarrier.arrive $0xFFFF  }
0xff: {  	_ =	shalt  }

</sc_bundles>
